<compile_context>
chip_gen: v7x
topology: tpu7x:2x2x1
jax: 0.10.2.dev20260603
libtpu: 0.0.44.dev20260713+nightly
codegen_flags: <defaults>
</compile_context>

<pallas_src>
import functools
import math

import jax
import jax.numpy as jnp
from jax import lax
from jax.experimental import pallas as pl
from jax.experimental.pallas import tpu as pltpu
from jax.experimental.pallas import tpu_sc as plsc

_NUM_MOVABLE = 128
_NUM_PHYS = 1000000
_INV_PITCH = 1.0 / 16.0

_C1 = -1.0 / 6.0
_C2 = 1.0 / 120.0
_C3 = -1.0 / 5040.0
_C4 = 1.0 / 362880.0
_C5 = -1.0 / 39916800.0
_PI = math.pi


def _sin2_pitch(v):
    u = v * _INV_PITCH
    n = lax.convert_element_type(lax.convert_element_type(u, jnp.int32),
                                 jnp.float32)
    r = u - n
    r = r - jnp.where(r > 0.5, 1.0, 0.0) + jnp.where(r < -0.5, 1.0, 0.0)
    t = _PI * r
    t2 = t * t
    s = t * (1.0 + t2 * (_C1 + t2 * (_C2 + t2 * (_C3 + t2 * (_C4 + t2 * _C5)))))
    return s * s


_MESH = plsc.VectorSubcoreMesh(
    core_axis_name="c", subcore_axis_name="s", num_cores=1, num_subcores=1
)


@functools.partial(
    pl.kernel,
    mesh=_MESH,
    compiler_params=pltpu.CompilerParams(needs_layout_passes=False),
    out_type=jax.ShapeDtypeStruct((16,), jnp.float32),
    scratch_types=[
        pltpu.VMEM((_NUM_MOVABLE,), jnp.float32),
        pltpu.VMEM((_NUM_MOVABLE,), jnp.float32),
        pltpu.VMEM((_NUM_MOVABLE // 4,), jnp.int32),
        pltpu.VMEM((16,), jnp.float32),
        pltpu.SemaphoreType.DMA,
        pltpu.SemaphoreType.DMA,
        pltpu.SemaphoreType.DMA,
    ],
)
def _grid_align_sc(pos_hbm, mask_hbm, out_hbm, x_v, y_v, m_v, o_v,
                   sem_x, sem_y, sem_m):
    @pl.when(lax.axis_index("s") == 0)
    def _():
        cx = pltpu.async_copy(pos_hbm.at[pl.ds(0, _NUM_MOVABLE)], x_v, sem_x)
        cy = pltpu.async_copy(
            pos_hbm.at[pl.ds(_NUM_PHYS, _NUM_MOVABLE)], y_v, sem_y)
        cm = pltpu.async_copy(mask_hbm, m_v, sem_m)
        cx.wait()
        cy.wait()
        cm.wait()
        lanes = jnp.arange(16, dtype=jnp.int32)
        widx = lanes >> 2
        shamt = (lanes & 3) * 8
        acc = jnp.zeros((16,), jnp.float32)
        for i in range(_NUM_MOVABLE // 16):
            xs = x_v[pl.ds(i * 16, 16)]
            ys = y_v[pl.ds(i * 16, 16)]
            w = plsc.load_gather(m_v, [widx + 4 * i])
            ms = lax.convert_element_type((w >> shamt) & 1, jnp.float32)
            acc = acc + ms * (_sin2_pitch(xs) + _sin2_pitch(ys))
        for shift in (8, 4, 2, 1):
            o_v[...] = acc
            g = plsc.load_gather(o_v, [(lanes + shift) & 15])
            acc = acc + g
        o_v[...] = acc
        pltpu.sync_copy(o_v, out_hbm)


def kernel(pos, macro_mask):
    mask_words = macro_mask.view(jnp.int32)
    out = _grid_align_sc(pos, mask_words)
    return out[0]

# --- scband reference (transcript-rebuilt; emitter-appended) ---
"""Pipeline reference for scband-macro-grid-align-op-28647431864382 (READ-ONLY COPY).

The authoritative reference and input builder live on the scoring server;
editing this copy changes nothing except your own understanding.
"""

import math
import jax, jax.numpy as jnp
import numpy as np

NUM_MOVABLE = 128
NUM_PHYS = 1000000
PITCH_X = 16.0
PITCH_Y = 16.0


def setup_inputs(seed: int = 0) -> dict:
    key = jax.random.key(seed)
    pos = jax.random.normal(key, (2 * NUM_PHYS,), dtype=jnp.float32) * 100.0
    macro_mask = jnp.ones((NUM_MOVABLE,), dtype=bool)
    return {"pos": pos, "macro_mask": macro_mask}


def reference(pos, macro_mask):
    # x coords of movable nodes, y coords of movable nodes
    x = pos[:NUM_MOVABLE]
    y = pos[NUM_PHYS:NUM_PHYS + NUM_MOVABLE]
    # boolean-mask select implemented as multiplicative mask (jit-safe, same math
    # since unmasked terms contribute 0 to the sum)
    m = macro_mask.astype(pos.dtype)
    loss_x = jnp.sin(math.pi * x / PITCH_X) ** 2
    loss_y = jnp.sin(math.pi * y / PITCH_Y) ** 2
    return jnp.sum(m * (loss_x + loss_y))

if __name__ == "__main__":
    import jax
    _d = setup_inputs()
    print(jax.jit(kernel)(*tuple(_d.values())))

</pallas_src>

<mosaic_0001>
#map = affine_map<(d0, d1) -> (0)>
module attributes {stable_mosaic.version = 14 : i64} {
  func.func @_grid_align_sc(%arg0: i32, %arg1: i32, %arg2: memref<2000000xf32, #tpu.memory_space<hbm>>, %arg3: memref<32xi32, #tpu.memory_space<hbm>>, %arg4: memref<16xf32, #tpu.memory_space<hbm>>, %arg5: memref<128xf32, #tpu.memory_space<vmem>>, %arg6: memref<128xf32, #tpu.memory_space<vmem>>, %arg7: memref<32xi32, #tpu.memory_space<vmem>>, %arg8: memref<16xf32, #tpu.memory_space<vmem>>, %arg9: memref<!tpu.dma_semaphore, #tpu.memory_space<semaphore_mem>>, %arg10: memref<!tpu.dma_semaphore, #tpu.memory_space<semaphore_mem>>, %arg11: memref<!tpu.dma_semaphore, #tpu.memory_space<semaphore_mem>>) attributes {dimension_semantics = [#tpu.dimension_semantics<core_parallel>, #tpu.dimension_semantics<subcore_parallel>], iteration_bounds = array<i64: 1, 1>, scalar_prefetch = 0 : i64, scratch_operands = 7 : i64, tpu.core_type = #tpu.core_type<sc_vector_subcore>, window_params = [{transform_indices = #map}, {transform_indices = #map}, {transform_indices = #map}]} {
    %eq3A = arith.constant 0 : i32
    %eq3A_0 = arith.cmpi eq, %arg1, %eq3A : i32
    %convert_element_type3A = arith.extui %eq3A_0 : i1 to i32
    %cond3A = arith.constant 0 : i32
    %cond3A_1 = arith.cmpi ne, %convert_element_type3A, %cond3A : i32
    scf.if %cond3A_1 {
      %dma_start3A = arith.constant 0 : i32
      %dma_start3A_2 = tpu.memref_slice %arg2[%dma_start3A] : memref<2000000xf32, #tpu.memory_space<hbm>> -> memref<128xf32, #tpu.memory_space<hbm>>
      %dma_start3A_3 = arith.constant 0 : i32
      %dma_start3A_4 = tpu.memref_slice %arg2[%dma_start3A_3] : memref<2000000xf32, #tpu.memory_space<hbm>> -> memref<128xf32, #tpu.memory_space<hbm>>
      tpu.enqueue_dma source(%dma_start3A_4 : memref<128xf32, #tpu.memory_space<hbm>>) target(%arg5 : memref<128xf32, #tpu.memory_space<vmem>>) target_semaphore(%arg9 : memref<!tpu.dma_semaphore, #tpu.memory_space<semaphore_mem>>)
      %dma_start3A_5 = arith.constant 1000000 : i32
      %dma_start3A_6 = tpu.memref_slice %arg2[%dma_start3A_5] : memref<2000000xf32, #tpu.memory_space<hbm>> -> memref<128xf32, #tpu.memory_space<hbm>>
      %dma_start3A_7 = arith.constant 1000000 : i32
      %dma_start3A_8 = tpu.memref_slice %arg2[%dma_start3A_7] : memref<2000000xf32, #tpu.memory_space<hbm>> -> memref<128xf32, #tpu.memory_space<hbm>>
      tpu.enqueue_dma source(%dma_start3A_8 : memref<128xf32, #tpu.memory_space<hbm>>) target(%arg6 : memref<128xf32, #tpu.memory_space<vmem>>) target_semaphore(%arg10 : memref<!tpu.dma_semaphore, #tpu.memory_space<semaphore_mem>>)
      tpu.enqueue_dma source(%arg3 : memref<32xi32, #tpu.memory_space<hbm>>) target(%arg7 : memref<32xi32, #tpu.memory_space<vmem>>) target_semaphore(%arg11 : memref<!tpu.dma_semaphore, #tpu.memory_space<semaphore_mem>>)
      %dma_wait3A = arith.constant 0 : i32
      %dma_wait3A_9 = tpu.memref_slice %arg2[%dma_wait3A] : memref<2000000xf32, #tpu.memory_space<hbm>> -> memref<128xf32, #tpu.memory_space<hbm>>
      %dma_wait3A_10 = arith.constant 0 : i32
      %dma_wait3A_11 = tpu.memref_slice %arg2[%dma_wait3A_10] : memref<2000000xf32, #tpu.memory_space<hbm>> -> memref<128xf32, #tpu.memory_space<hbm>>
      tpu.wait_dma2 semaphore(%arg9 : memref<!tpu.dma_semaphore, #tpu.memory_space<semaphore_mem>>) src(%dma_wait3A_11 : memref<128xf32, #tpu.memory_space<hbm>>) dst(%arg5 : memref<128xf32, #tpu.memory_space<vmem>>)
      %dma_wait3A_12 = arith.constant 1000000 : i32
      %dma_wait3A_13 = tpu.memref_slice %arg2[%dma_wait3A_12] : memref<2000000xf32, #tpu.memory_space<hbm>> -> memref<128xf32, #tpu.memory_space<hbm>>
      %dma_wait3A_14 = arith.constant 1000000 : i32
      %dma_wait3A_15 = tpu.memref_slice %arg2[%dma_wait3A_14] : memref<2000000xf32, #tpu.memory_space<hbm>> -> memref<128xf32, #tpu.memory_space<hbm>>
      tpu.wait_dma2 semaphore(%arg10 : memref<!tpu.dma_semaphore, #tpu.memory_space<semaphore_mem>>) src(%dma_wait3A_15 : memref<128xf32, #tpu.memory_space<hbm>>) dst(%arg6 : memref<128xf32, #tpu.memory_space<vmem>>)
      tpu.wait_dma2 semaphore(%arg11 : memref<!tpu.dma_semaphore, #tpu.memory_space<semaphore_mem>>) src(%arg3 : memref<32xi32, #tpu.memory_space<hbm>>) dst(%arg7 : memref<32xi32, #tpu.memory_space<vmem>>)
      %iota3A = tpu.iota {dimensions = array<i32: 0>} : vector<16xi32>
      %shift_right_arithmetic3A = arith.constant 2 : i32
      %shift_right_arithmetic3A_16 = vector.broadcast %shift_right_arithmetic3A : i32 to vector<16xi32>
      %shift_right_arithmetic3A_17 = arith.shrsi %iota3A, %shift_right_arithmetic3A_16 : vector<16xi32>
      %and3A = arith.constant 3 : i32
      %and3A_18 = vector.broadcast %and3A : i32 to vector<16xi32>
      %and3A_19 = arith.andi %iota3A, %and3A_18 : vector<16xi32>
      %mul3A = arith.constant 8 : i32
      %mul3A_20 = vector.broadcast %mul3A : i32 to vector<16xi32>
      %mul3A_21 = arith.muli %and3A_19, %mul3A_20 : vector<16xi32>
      %broadcast_in_dim3A = arith.constant 0.000000e+00 : f32
      %broadcast_in_dim3A_22 = vector.broadcast %broadcast_in_dim3A : f32 to vector<16xf32>
      %get3A = arith.constant 0 : index
      %get3A_23 = tpu.vector_load %arg5[%get3A] {strides = array<i32>} : memref<128xf32, #tpu.memory_space<vmem>>, vector<16xf32>,
      %get3A_24 = arith.constant 0 : index
      %get3A_25 = tpu.vector_load %arg6[%get3A_24] {strides = array<i32>} : memref<128xf32, #tpu.memory_space<vmem>>, vector<16xf32>,
      %add3A = arith.constant 0 : i32
      %add3A_26 = vector.broadcast %add3A : i32 to vector<16xi32>
      %add3A_27 = arith.addi %shift_right_arithmetic3A_17, %add3A_26 : vector<16xi32>
      %gather3A = tpu.vector_load_idx %arg7[%add3A_27] : memref<32xi32, #tpu.memory_space<vmem>>[vector<16xi32>], vector<16xi32>,
      %shift_right_arithmetic3A_28 = arith.shrsi %gather3A, %mul3A_21 : vector<16xi32>
      %and3A_29 = arith.constant 1 : i32
      %and3A_30 = vector.broadcast %and3A_29 : i32 to vector<16xi32>
      %and3A_31 = arith.andi %shift_right_arithmetic3A_28, %and3A_30 : vector<16xi32>
      %convert_element_type3A_32 = arith.sitofp %and3A_31 : vector<16xi32> to vector<16xf32>
      %mul3A_33 = arith.constant 6.250000e-02 : f32
      %mul3A_34 = vector.broadcast %mul3A_33 : f32 to vector<16xf32>
      %mul3A_35 = arith.mulf %get3A_23, %mul3A_34 : vector<16xf32>
      %convert_element_type3A_36 = arith.fptosi %mul3A_35 : vector<16xf32> to vector<16xi32>
      %convert_element_type3A_37 = arith.sitofp %convert_element_type3A_36 : vector<16xi32> to vector<16xf32>
      %sub3A = arith.subf %mul3A_35, %convert_element_type3A_37 : vector<16xf32>
      %gt3A = arith.constant 5.000000e-01 : f32
      %gt3A_38 = vector.broadcast %gt3A : f32 to vector<16xf32>
      %gt3A_39 = arith.cmpf ogt, %sub3A, %gt3A_38 : vector<16xf32>
      %jit3A = arith.constant 1.000000e+00 : f32
      %jit3A_40 = arith.constant 0.000000e+00 : f32
      %broadcast_in_dim3A_41 = vector.broadcast %jit3A : f32 to vector<16xf32>
      %broadcast_in_dim3A_42 = vector.broadcast %jit3A_40 : f32 to vector<16xf32>
      %select_n3A = arith.select %gt3A_39, %broadcast_in_dim3A_41, %broadcast_in_dim3A_42 : vector<16xi1>, vector<16xf32>
      %sub3A_43 = arith.subf %sub3A, %select_n3A : vector<16xf32>
      %lt3A = arith.constant -5.000000e-01 : f32
      %lt3A_44 = vector.broadcast %lt3A : f32 to vector<16xf32>
      %lt3A_45 = arith.cmpf olt, %sub3A, %lt3A_44 : vector<16xf32>
      %jit3A_46 = arith.constant 1.000000e+00 : f32
      %jit3A_47 = arith.constant 0.000000e+00 : f32
      %broadcast_in_dim3A_48 = vector.broadcast %jit3A_46 : f32 to vector<16xf32>
      %broadcast_in_dim3A_49 = vector.broadcast %jit3A_47 : f32 to vector<16xf32>
      %select_n3A_50 = arith.select %lt3A_45, %broadcast_in_dim3A_48, %broadcast_in_dim3A_49 : vector<16xi1>, vector<16xf32>
      %add3A_51 = arith.addf %sub3A_43, %select_n3A_50 : vector<16xf32>
      %mul3A_52 = arith.constant 3.14159274 : f32
      %mul3A_53 = vector.broadcast %mul3A_52 : f32 to vector<16xf32>
      %mul3A_54 = arith.mulf %mul3A_53, %add3A_51 : vector<16xf32>
      %mul3A_55 = arith.mulf %mul3A_54, %mul3A_54 : vector<16xf32>
      %mul3A_56 = arith.constant -2.50521079E-8 : f32
      %mul3A_57 = vector.broadcast %mul3A_56 : f32 to vector<16xf32>
      %mul3A_58 = arith.mulf %mul3A_55, %mul3A_57 : vector<16xf32>
      %add3A_59 = arith.constant 2.75573188E-6 : f32
      %add3A_60 = vector.broadcast %add3A_59 : f32 to vector<16xf32>
      %add3A_61 = arith.addf %add3A_60, %mul3A_58 : vector<16xf32>
      %mul3A_62 = arith.mulf %mul3A_55, %add3A_61 : vector<16xf32>
      %add3A_63 = arith.constant -1.98412701E-4 : f32
      %add3A_64 = vector.broadcast %add3A_63 : f32 to vector<16xf32>
      %add3A_65 = arith.addf %add3A_64, %mul3A_62 : vector<16xf32>
      %mul3A_66 = arith.mulf %mul3A_55, %add3A_65 : vector<16xf32>
      %add3A_67 = arith.constant 0.00833333377 : f32
      %add3A_68 = vector.broadcast %add3A_67 : f32 to vector<16xf32>
      %add3A_69 = arith.addf %add3A_68, %mul3A_66 : vector<16xf32>
      %mul3A_70 = arith.mulf %mul3A_55, %add3A_69 : vector<16xf32>
      %add3A_71 = arith.constant -0.166666672 : f32
      %add3A_72 = vector.broadcast %add3A_71 : f32 to vector<16xf32>
      %add3A_73 = arith.addf %add3A_72, %mul3A_70 : vector<16xf32>
      %mul3A_74 = arith.mulf %mul3A_55, %add3A_73 : vector<16xf32>
      %add3A_75 = arith.constant 1.000000e+00 : f32
      %add3A_76 = vector.broadcast %add3A_75 : f32 to vector<16xf32>
      %add3A_77 = arith.addf %add3A_76, %mul3A_74 : vector<16xf32>
      %mul3A_78 = arith.mulf %mul3A_54, %add3A_77 : vector<16xf32>
      %mul3A_79 = arith.mulf %mul3A_78, %mul3A_78 : vector<16xf32>
      %mul3A_80 = arith.constant 6.250000e-02 : f32
      %mul3A_81 = vector.broadcast %mul3A_80 : f32 to vector<16xf32>
      %mul3A_82 = arith.mulf %get3A_25, %mul3A_81 : vector<16xf32>
      %convert_element_type3A_83 = arith.fptosi %mul3A_82 : vector<16xf32> to vector<16xi32>
      %convert_element_type3A_84 = arith.sitofp %convert_element_type3A_83 : vector<16xi32> to vector<16xf32>
      %sub3A_85 = arith.subf %mul3A_82, %convert_element_type3A_84 : vector<16xf32>
      %gt3A_86 = arith.constant 5.000000e-01 : f32
      %gt3A_87 = vector.broadcast %gt3A_86 : f32 to vector<16xf32>
      %gt3A_88 = arith.cmpf ogt, %sub3A_85, %gt3A_87 : vector<16xf32>
      %jit3A_89 = arith.constant 1.000000e+00 : f32
      %jit3A_90 = arith.constant 0.000000e+00 : f32
      %broadcast_in_dim3A_91 = vector.broadcast %jit3A_89 : f32 to vector<16xf32>
      %broadcast_in_dim3A_92 = vector.broadcast %jit3A_90 : f32 to vector<16xf32>
      %select_n3A_93 = arith.select %gt3A_88, %broadcast_in_dim3A_91, %broadcast_in_dim3A_92 : vector<16xi1>, vector<16xf32>
      %sub3A_94 = arith.subf %sub3A_85, %select_n3A_93 : vector<16xf32>
      %lt3A_95 = arith.constant -5.000000e-01 : f32
      %lt3A_96 = vector.broadcast %lt3A_95 : f32 to vector<16xf32>
      %lt3A_97 = arith.cmpf olt, %sub3A_85, %lt3A_96 : vector<16xf32>
      %jit3A_98 = arith.constant 1.000000e+00 : f32
      %jit3A_99 = arith.constant 0.000000e+00 : f32
      %broadcast_in_dim3A_100 = vector.broadcast %jit3A_98 : f32 to vector<16xf32>
      %broadcast_in_dim3A_101 = vector.broadcast %jit3A_99 : f32 to vector<16xf32>
      %select_n3A_102 = arith.select %lt3A_97, %broadcast_in_dim3A_100, %broadcast_in_dim3A_101 : vector<16xi1>, vector<16xf32>
      %add3A_103 = arith.addf %sub3A_94, %select_n3A_102 : vector<16xf32>
      %mul3A_104 = arith.constant 3.14159274 : f32
      %mul3A_105 = vector.broadcast %mul3A_104 : f32 to vector<16xf32>
      %mul3A_106 = arith.mulf %mul3A_105, %add3A_103 : vector<16xf32>
      %mul3A_107 = arith.mulf %mul3A_106, %mul3A_106 : vector<16xf32>
      %mul3A_108 = arith.constant -2.50521079E-8 : f32
      %mul3A_109 = vector.broadcast %mul3A_108 : f32 to vector<16xf32>
      %mul3A_110 = arith.mulf %mul3A_107, %mul3A_109 : vector<16xf32>
      %add3A_111 = arith.constant 2.75573188E-6 : f32
      %add3A_112 = vector.broadcast %add3A_111 : f32 to vector<16xf32>
      %add3A_113 = arith.addf %add3A_112, %mul3A_110 : vector<16xf32>
      %mul3A_114 = arith.mulf %mul3A_107, %add3A_113 : vector<16xf32>
      %add3A_115 = arith.constant -1.98412701E-4 : f32
      %add3A_116 = vector.broadcast %add3A_115 : f32 to vector<16xf32>
      %add3A_117 = arith.addf %add3A_116, %mul3A_114 : vector<16xf32>
      %mul3A_118 = arith.mulf %mul3A_107, %add3A_117 : vector<16xf32>
      %add3A_119 = arith.constant 0.00833333377 : f32
      %add3A_120 = vector.broadcast %add3A_119 : f32 to vector<16xf32>
      %add3A_121 = arith.addf %add3A_120, %mul3A_118 : vector<16xf32>
      %mul3A_122 = arith.mulf %mul3A_107, %add3A_121 : vector<16xf32>
      %add3A_123 = arith.constant -0.166666672 : f32
      %add3A_124 = vector.broadcast %add3A_123 : f32 to vector<16xf32>
      %add3A_125 = arith.addf %add3A_124, %mul3A_122 : vector<16xf32>
      %mul3A_126 = arith.mulf %mul3A_107, %add3A_125 : vector<16xf32>
      %add3A_127 = arith.constant 1.000000e+00 : f32
      %add3A_128 = vector.broadcast %add3A_127 : f32 to vector<16xf32>
      %add3A_129 = arith.addf %add3A_128, %mul3A_126 : vector<16xf32>
      %mul3A_130 = arith.mulf %mul3A_106, %add3A_129 : vector<16xf32>
      %mul3A_131 = arith.mulf %mul3A_130, %mul3A_130 : vector<16xf32>
      %add3A_132 = arith.addf %mul3A_79, %mul3A_131 : vector<16xf32>
      %mul3A_133 = arith.mulf %convert_element_type3A_32, %add3A_132 : vector<16xf32>
      %add3A_134 = arith.addf %broadcast_in_dim3A_22, %mul3A_133 : vector<16xf32>
      %get3A_135 = arith.constant 16 : index
      %get3A_136 = tpu.vector_load %arg5[%get3A_135] {strides = array<i32>} : memref<128xf32, #tpu.memory_space<vmem>>, vector<16xf32>,
      %get3A_137 = arith.constant 16 : index
      %get3A_138 = tpu.vector_load %arg6[%get3A_137] {strides = array<i32>} : memref<128xf32, #tpu.memory_space<vmem>>, vector<16xf32>,
      %add3A_139 = arith.constant 4 : i32
      %add3A_140 = vector.broadcast %add3A_139 : i32 to vector<16xi32>
      %add3A_141 = arith.addi %shift_right_arithmetic3A_17, %add3A_140 : vector<16xi32>
      %gather3A_142 = tpu.vector_load_idx %arg7[%add3A_141] : memref<32xi32, #tpu.memory_space<vmem>>[vector<16xi32>], vector<16xi32>,
      %shift_right_arithmetic3A_143 = arith.shrsi %gather3A_142, %mul3A_21 : vector<16xi32>
      %and3A_144 = arith.constant 1 : i32
      %and3A_145 = vector.broadcast %and3A_144 : i32 to vector<16xi32>
      %and3A_146 = arith.andi %shift_right_arithmetic3A_143, %and3A_145 : vector<16xi32>
      %convert_element_type3A_147 = arith.sitofp %and3A_146 : vector<16xi32> to vector<16xf32>
      %mul3A_148 = arith.constant 6.250000e-02 : f32
      %mul3A_149 = vector.broadcast %mul3A_148 : f32 to vector<16xf32>
      %mul3A_150 = arith.mulf %get3A_136, %mul3A_149 : vector<16xf32>
      %convert_element_type3A_151 = arith.fptosi %mul3A_150 : vector<16xf32> to vector<16xi32>
      %convert_element_type3A_152 = arith.sitofp %convert_element_type3A_151 : vector<16xi32> to vector<16xf32>
      %sub3A_153 = arith.subf %mul3A_150, %convert_element_type3A_152 : vector<16xf32>
      %gt3A_154 = arith.constant 5.000000e-01 : f32
      %gt3A_155 = vector.broadcast %gt3A_154 : f32 to vector<16xf32>
      %gt3A_156 = arith.cmpf ogt, %sub3A_153, %gt3A_155 : vector<16xf32>
      %jit3A_157 = arith.constant 1.000000e+00 : f32
      %jit3A_158 = arith.constant 0.000000e+00 : f32
      %broadcast_in_dim3A_159 = vector.broadcast %jit3A_157 : f32 to vector<16xf32>
      %broadcast_in_dim3A_160 = vector.broadcast %jit3A_158 : f32 to vector<16xf32>
      %select_n3A_161 = arith.select %gt3A_156, %broadcast_in_dim3A_159, %broadcast_in_dim3A_160 : vector<16xi1>, vector<16xf32>
      %sub3A_162 = arith.subf %sub3A_153, %select_n3A_161 : vector<16xf32>
      %lt3A_163 = arith.constant -5.000000e-01 : f32
      %lt3A_164 = vector.broadcast %lt3A_163 : f32 to vector<16xf32>
      %lt3A_165 = arith.cmpf olt, %sub3A_153, %lt3A_164 : vector<16xf32>
      %jit3A_166 = arith.constant 1.000000e+00 : f32
      %jit3A_167 = arith.constant 0.000000e+00 : f32
      %broadcast_in_dim3A_168 = vector.broadcast %jit3A_166 : f32 to vector<16xf32>
      %broadcast_in_dim3A_169 = vector.broadcast %jit3A_167 : f32 to vector<16xf32>
      %select_n3A_170 = arith.select %lt3A_165, %broadcast_in_dim3A_168, %broadcast_in_dim3A_169 : vector<16xi1>, vector<16xf32>
      %add3A_171 = arith.addf %sub3A_162, %select_n3A_170 : vector<16xf32>
      %mul3A_172 = arith.constant 3.14159274 : f32
      %mul3A_173 = vector.broadcast %mul3A_172 : f32 to vector<16xf32>
      %mul3A_174 = arith.mulf %mul3A_173, %add3A_171 : vector<16xf32>
      %mul3A_175 = arith.mulf %mul3A_174, %mul3A_174 : vector<16xf32>
      %mul3A_176 = arith.constant -2.50521079E-8 : f32
      %mul3A_177 = vector.broadcast %mul3A_176 : f32 to vector<16xf32>
      %mul3A_178 = arith.mulf %mul3A_175, %mul3A_177 : vector<16xf32>
      %add3A_179 = arith.constant 2.75573188E-6 : f32
      %add3A_180 = vector.broadcast %add3A_179 : f32 to vector<16xf32>
      %add3A_181 = arith.addf %add3A_180, %mul3A_178 : vector<16xf32>
      %mul3A_182 = arith.mulf %mul3A_175, %add3A_181 : vector<16xf32>
      %add3A_183 = arith.constant -1.98412701E-4 : f32
      %add3A_184 = vector.broadcast %add3A_183 : f32 to vector<16xf32>
      %add3A_185 = arith.addf %add3A_184, %mul3A_182 : vector<16xf32>
      %mul3A_186 = arith.mulf %mul3A_175, %add3A_185 : vector<16xf32>
      %add3A_187 = arith.constant 0.00833333377 : f32
      %add3A_188 = vector.broadcast %add3A_187 : f32 to vector<16xf32>
      %add3A_189 = arith.addf %add3A_188, %mul3A_186 : vector<16xf32>
      %mul3A_190 = arith.mulf %mul3A_175, %add3A_189 : vector<16xf32>
      %add3A_191 = arith.constant -0.166666672 : f32
      %add3A_192 = vector.broadcast %add3A_191 : f32 to vector<16xf32>
      %add3A_193 = arith.addf %add3A_192, %mul3A_190 : vector<16xf32>
      %mul3A_194 = arith.mulf %mul3A_175, %add3A_193 : vector<16xf32>
      %add3A_195 = arith.constant 1.000000e+00 : f32
      %add3A_196 = vector.broadcast %add3A_195 : f32 to vector<16xf32>
      %add3A_197 = arith.addf %add3A_196, %mul3A_194 : vector<16xf32>
      %mul3A_198 = arith.mulf %mul3A_174, %add3A_197 : vector<16xf32>
      %mul3A_199 = arith.mulf %mul3A_198, %mul3A_198 : vector<16xf32>
      %mul3A_200 = arith.constant 6.250000e-02 : f32
      %mul3A_201 = vector.broadcast %mul3A_200 : f32 to vector<16xf32>
      %mul3A_202 = arith.mulf %get3A_138, %mul3A_201 : vector<16xf32>
      %convert_element_type3A_203 = arith.fptosi %mul3A_202 : vector<16xf32> to vector<16xi32>
      %convert_element_type3A_204 = arith.sitofp %convert_element_type3A_203 : vector<16xi32> to vector<16xf32>
      %sub3A_205 = arith.subf %mul3A_202, %convert_element_type3A_204 : vector<16xf32>
      %gt3A_206 = arith.constant 5.000000e-01 : f32
      %gt3A_207 = vector.broadcast %gt3A_206 : f32 to vector<16xf32>
      %gt3A_208 = arith.cmpf ogt, %sub3A_205, %gt3A_207 : vector<16xf32>
      %jit3A_209 = arith.constant 1.000000e+00 : f32
      %jit3A_210 = arith.constant 0.000000e+00 : f32
      %broadcast_in_dim3A_211 = vector.broadcast %jit3A_209 : f32 to vector<16xf32>
      %broadcast_in_dim3A_212 = vector.broadcast %jit3A_210 : f32 to vector<16xf32>
      %select_n3A_213 = arith.select %gt3A_208, %broadcast_in_dim3A_211, %broadcast_in_dim3A_212 : vector<16xi1>, vector<16xf32>
      %sub3A_214 = arith.subf %sub3A_205, %select_n3A_213 : vector<16xf32>
      %lt3A_215 = arith.constant -5.000000e-01 : f32
      %lt3A_216 = vector.broadcast %lt3A_215 : f32 to vector<16xf32>
      %lt3A_217 = arith.cmpf olt, %sub3A_205, %lt3A_216 : vector<16xf32>
      %jit3A_218 = arith.constant 1.000000e+00 : f32
      %jit3A_219 = arith.constant 0.000000e+00 : f32
      %broadcast_in_dim3A_220 = vector.broadcast %jit3A_218 : f32 to vector<16xf32>
      %broadcast_in_dim3A_221 = vector.broadcast %jit3A_219 : f32 to vector<16xf32>
      %select_n3A_222 = arith.select %lt3A_217, %broadcast_in_dim3A_220, %broadcast_in_dim3A_221 : vector<16xi1>, vector<16xf32>
      %add3A_223 = arith.addf %sub3A_214, %select_n3A_222 : vector<16xf32>
      %mul3A_224 = arith.constant 3.14159274 : f32
      %mul3A_225 = vector.broadcast %mul3A_224 : f32 to vector<16xf32>
      %mul3A_226 = arith.mulf %mul3A_225, %add3A_223 : vector<16xf32>
      %mul3A_227 = arith.mulf %mul3A_226, %mul3A_226 : vector<16xf32>
      %mul3A_228 = arith.constant -2.50521079E-8 : f32
      %mul3A_229 = vector.broadcast %mul3A_228 : f32 to vector<16xf32>
      %mul3A_230 = arith.mulf %mul3A_227, %mul3A_229 : vector<16xf32>
      %add3A_231 = arith.constant 2.75573188E-6 : f32
      %add3A_232 = vector.broadcast %add3A_231 : f32 to vector<16xf32>
      %add3A_233 = arith.addf %add3A_232, %mul3A_230 : vector<16xf32>
      %mul3A_234 = arith.mulf %mul3A_227, %add3A_233 : vector<16xf32>
      %add3A_235 = arith.constant -1.98412701E-4 : f32
      %add3A_236 = vector.broadcast %add3A_235 : f32 to vector<16xf32>
      %add3A_237 = arith.addf %add3A_236, %mul3A_234 : vector<16xf32>
      %mul3A_238 = arith.mulf %mul3A_227, %add3A_237 : vector<16xf32>
      %add3A_239 = arith.constant 0.00833333377 : f32
      %add3A_240 = vector.broadcast %add3A_239 : f32 to vector<16xf32>
      %add3A_241 = arith.addf %add3A_240, %mul3A_238 : vector<16xf32>
      %mul3A_242 = arith.mulf %mul3A_227, %add3A_241 : vector<16xf32>
      %add3A_243 = arith.constant -0.166666672 : f32
      %add3A_244 = vector.broadcast %add3A_243 : f32 to vector<16xf32>
      %add3A_245 = arith.addf %add3A_244, %mul3A_242 : vector<16xf32>
      %mul3A_246 = arith.mulf %mul3A_227, %add3A_245 : vector<16xf32>
      %add3A_247 = arith.constant 1.000000e+00 : f32
      %add3A_248 = vector.broadcast %add3A_247 : f32 to vector<16xf32>
      %add3A_249 = arith.addf %add3A_248, %mul3A_246 : vector<16xf32>
      %mul3A_250 = arith.mulf %mul3A_226, %add3A_249 : vector<16xf32>
      %mul3A_251 = arith.mulf %mul3A_250, %mul3A_250 : vector<16xf32>
      %add3A_252 = arith.addf %mul3A_199, %mul3A_251 : vector<16xf32>
      %mul3A_253 = arith.mulf %convert_element_type3A_147, %add3A_252 : vector<16xf32>
      %add3A_254 = arith.addf %add3A_134, %mul3A_253 : vector<16xf32>
      %get3A_255 = arith.constant 32 : index
      %get3A_256 = tpu.vector_load %arg5[%get3A_255] {strides = array<i32>} : memref<128xf32, #tpu.memory_space<vmem>>, vector<16xf32>,
      %get3A_257 = arith.constant 32 : index
      %get3A_258 = tpu.vector_load %arg6[%get3A_257] {strides = array<i32>} : memref<128xf32, #tpu.memory_space<vmem>>, vector<16xf32>,
      %add3A_259 = arith.constant 8 : i32
      %add3A_260 = vector.broadcast %add3A_259 : i32 to vector<16xi32>
      %add3A_261 = arith.addi %shift_right_arithmetic3A_17, %add3A_260 : vector<16xi32>
      %gather3A_262 = tpu.vector_load_idx %arg7[%add3A_261] : memref<32xi32, #tpu.memory_space<vmem>>[vector<16xi32>], vector<16xi32>,
      %shift_right_arithmetic3A_263 = arith.shrsi %gather3A_262, %mul3A_21 : vector<16xi32>
      %and3A_264 = arith.constant 1 : i32
      %and3A_265 = vector.broadcast %and3A_264 : i32 to vector<16xi32>
      %and3A_266 = arith.andi %shift_right_arithmetic3A_263, %and3A_265 : vector<16xi32>
      %convert_element_type3A_267 = arith.sitofp %and3A_266 : vector<16xi32> to vector<16xf32>
      %mul3A_268 = arith.constant 6.250000e-02 : f32
      %mul3A_269 = vector.broadcast %mul3A_268 : f32 to vector<16xf32>
      %mul3A_270 = arith.mulf %get3A_256, %mul3A_269 : vector<16xf32>
      %convert_element_type3A_271 = arith.fptosi %mul3A_270 : vector<16xf32> to vector<16xi32>
      %convert_element_type3A_272 = arith.sitofp %convert_element_type3A_271 : vector<16xi32> to vector<16xf32>
      %sub3A_273 = arith.subf %mul3A_270, %convert_element_type3A_272 : vector<16xf32>
      %gt3A_274 = arith.constant 5.000000e-01 : f32
      %gt3A_275 = vector.broadcast %gt3A_274 : f32 to vector<16xf32>
      %gt3A_276 = arith.cmpf ogt, %sub3A_273, %gt3A_275 : vector<16xf32>
      %jit3A_277 = arith.constant 1.000000e+00 : f32
      %jit3A_278 = arith.constant 0.000000e+00 : f32
      %broadcast_in_dim3A_279 = vector.broadcast %jit3A_277 : f32 to vector<16xf32>
      %broadcast_in_dim3A_280 = vector.broadcast %jit3A_278 : f32 to vector<16xf32>
      %select_n3A_281 = arith.select %gt3A_276, %broadcast_in_dim3A_279, %broadcast_in_dim3A_280 : vector<16xi1>, vector<16xf32>
      %sub3A_282 = arith.subf %sub3A_273, %select_n3A_281 : vector<16xf32>
      %lt3A_283 = arith.constant -5.000000e-01 : f32
      %lt3A_284 = vector.broadcast %lt3A_283 : f32 to vector<16xf32>
      %lt3A_285 = arith.cmpf olt, %sub3A_273, %lt3A_284 : vector<16xf32>
      %jit3A_286 = arith.constant 1.000000e+00 : f32
      %jit3A_287 = arith.constant 0.000000e+00 : f32
      %broadcast_in_dim3A_288 = vector.broadcast %jit3A_286 : f32 to vector<16xf32>
      %broadcast_in_dim3A_289 = vector.broadcast %jit3A_287 : f32 to vector<16xf32>
      %select_n3A_290 = arith.select %lt3A_285, %broadcast_in_dim3A_288, %broadcast_in_dim3A_289 : vector<16xi1>, vector<16xf32>
      %add3A_291 = arith.addf %sub3A_282, %select_n3A_290 : vector<16xf32>
      %mul3A_292 = arith.constant 3.14159274 : f32
      %mul3A_293 = vector.broadcast %mul3A_292 : f32 to vector<16xf32>
      %mul3A_294 = arith.mulf %mul3A_293, %add3A_291 : vector<16xf32>
      %mul3A_295 = arith.mulf %mul3A_294, %mul3A_294 : vector<16xf32>
      %mul3A_296 = arith.constant -2.50521079E-8 : f32
      %mul3A_297 = vector.broadcast %mul3A_296 : f32 to vector<16xf32>
      %mul3A_298 = arith.mulf %mul3A_295, %mul3A_297 : vector<16xf32>
      %add3A_299 = arith.constant 2.75573188E-6 : f32
      %add3A_300 = vector.broadcast %add3A_299 : f32 to vector<16xf32>
      %add3A_301 = arith.addf %add3A_300, %mul3A_298 : vector<16xf32>
      %mul3A_302 = arith.mulf %mul3A_295, %add3A_301 : vector<16xf32>
      %add3A_303 = arith.constant -1.98412701E-4 : f32
      %add3A_304 = vector.broadcast %add3A_303 : f32 to vector<16xf32>
      %add3A_305 = arith.addf %add3A_304, %mul3A_302 : vector<16xf32>
      %mul3A_306 = arith.mulf %mul3A_295, %add3A_305 : vector<16xf32>
      %add3A_307 = arith.constant 0.00833333377 : f32
      %add3A_308 = vector.broadcast %add3A_307 : f32 to vector<16xf32>
      %add3A_309 = arith.addf %add3A_308, %mul3A_306 : vector<16xf32>
      %mul3A_310 = arith.mulf %mul3A_295, %add3A_309 : vector<16xf32>
      %add3A_311 = arith.constant -0.166666672 : f32
      %add3A_312 = vector.broadcast %add3A_311 : f32 to vector<16xf32>
      %add3A_313 = arith.addf %add3A_312, %mul3A_310 : vector<16xf32>
      %mul3A_314 = arith.mulf %mul3A_295, %add3A_313 : vector<16xf32>
      %add3A_315 = arith.constant 1.000000e+00 : f32
      %add3A_316 = vector.broadcast %add3A_315 : f32 to vector<16xf32>
      %add3A_317 = arith.addf %add3A_316, %mul3A_314 : vector<16xf32>
      %mul3A_318 = arith.mulf %mul3A_294, %add3A_317 : vector<16xf32>
      %mul3A_319 = arith.mulf %mul3A_318, %mul3A_318 : vector<16xf32>
      %mul3A_320 = arith.constant 6.250000e-02 : f32
      %mul3A_321 = vector.broadcast %mul3A_320 : f32 to vector<16xf32>
      %mul3A_322 = arith.mulf %get3A_258, %mul3A_321 : vector<16xf32>
      %convert_element_type3A_323 = arith.fptosi %mul3A_322 : vector<16xf32> to vector<16xi32>
      %convert_element_type3A_324 = arith.sitofp %convert_element_type3A_323 : vector<16xi32> to vector<16xf32>
      %sub3A_325 = arith.subf %mul3A_322, %convert_element_type3A_324 : vector<16xf32>
      %gt3A_326 = arith.constant 5.000000e-01 : f32
      %gt3A_327 = vector.broadcast %gt3A_326 : f32 to vector<16xf32>
      %gt3A_328 = arith.cmpf ogt, %sub3A_325, %gt3A_327 : vector<16xf32>
      %jit3A_329 = arith.constant 1.000000e+00 : f32
      %jit3A_330 = arith.constant 0.000000e+00 : f32
      %broadcast_in_dim3A_331 = vector.broadcast %jit3A_329 : f32 to vector<16xf32>
      %broadcast_in_dim3A_332 = vector.broadcast %jit3A_330 : f32 to vector<16xf32>
      %select_n3A_333 = arith.select %gt3A_328, %broadcast_in_dim3A_331, %broadcast_in_dim3A_332 : vector<16xi1>, vector<16xf32>
      %sub3A_334 = arith.subf %sub3A_325, %select_n3A_333 : vector<16xf32>
      %lt3A_335 = arith.constant -5.000000e-01 : f32
      %lt3A_336 = vector.broadcast %lt3A_335 : f32 to vector<16xf32>
      %lt3A_337 = arith.cmpf olt, %sub3A_325, %lt3A_336 : vector<16xf32>
      %jit3A_338 = arith.constant 1.000000e+00 : f32
      %jit3A_339 = arith.constant 0.000000e+00 : f32
      %broadcast_in_dim3A_340 = vector.broadcast %jit3A_338 : f32 to vector<16xf32>
      %broadcast_in_dim3A_341 = vector.broadcast %jit3A_339 : f32 to vector<16xf32>
      %select_n3A_342 = arith.select %lt3A_337, %broadcast_in_dim3A_340, %broadcast_in_dim3A_341 : vector<16xi1>, vector<16xf32>
      %add3A_343 = arith.addf %sub3A_334, %select_n3A_342 : vector<16xf32>
      %mul3A_344 = arith.constant 3.14159274 : f32
      %mul3A_345 = vector.broadcast %mul3A_344 : f32 to vector<16xf32>
      %mul3A_346 = arith.mulf %mul3A_345, %add3A_343 : vector<16xf32>
      %mul3A_347 = arith.mulf %mul3A_346, %mul3A_346 : vector<16xf32>
      %mul3A_348 = arith.constant -2.50521079E-8 : f32
      %mul3A_349 = vector.broadcast %mul3A_348 : f32 to vector<16xf32>
      %mul3A_350 = arith.mulf %mul3A_347, %mul3A_349 : vector<16xf32>
      %add3A_351 = arith.constant 2.75573188E-6 : f32
      %add3A_352 = vector.broadcast %add3A_351 : f32 to vector<16xf32>
      %add3A_353 = arith.addf %add3A_352, %mul3A_350 : vector<16xf32>
      %mul3A_354 = arith.mulf %mul3A_347, %add3A_353 : vector<16xf32>
      %add3A_355 = arith.constant -1.98412701E-4 : f32
      %add3A_356 = vector.broadcast %add3A_355 : f32 to vector<16xf32>
      %add3A_357 = arith.addf %add3A_356, %mul3A_354 : vector<16xf32>
      %mul3A_358 = arith.mulf %mul3A_347, %add3A_357 : vector<16xf32>
      %add3A_359 = arith.constant 0.00833333377 : f32
      %add3A_360 = vector.broadcast %add3A_359 : f32 to vector<16xf32>
      %add3A_361 = arith.addf %add3A_360, %mul3A_358 : vector<16xf32>
      %mul3A_362 = arith.mulf %mul3A_347, %add3A_361 : vector<16xf32>
      %add3A_363 = arith.constant -0.166666672 : f32
      %add3A_364 = vector.broadcast %add3A_363 : f32 to vector<16xf32>
      %add3A_365 = arith.addf %add3A_364, %mul3A_362 : vector<16xf32>
      %mul3A_366 = arith.mulf %mul3A_347, %add3A_365 : vector<16xf32>
      %add3A_367 = arith.constant 1.000000e+00 : f32
      %add3A_368 = vector.broadcast %add3A_367 : f32 to vector<16xf32>
      %add3A_369 = arith.addf %add3A_368, %mul3A_366 : vector<16xf32>
      %mul3A_370 = arith.mulf %mul3A_346, %add3A_369 : vector<16xf32>
      %mul3A_371 = arith.mulf %mul3A_370, %mul3A_370 : vector<16xf32>
      %add3A_372 = arith.addf %mul3A_319, %mul3A_371 : vector<16xf32>
      %mul3A_373 = arith.mulf %convert_element_type3A_267, %add3A_372 : vector<16xf32>
      %add3A_374 = arith.addf %add3A_254, %mul3A_373 : vector<16xf32>
      %get3A_375 = arith.constant 48 : index
      %get3A_376 = tpu.vector_load %arg5[%get3A_375] {strides = array<i32>} : memref<128xf32, #tpu.memory_space<vmem>>, vector<16xf32>,
      %get3A_377 = arith.constant 48 : index
      %get3A_378 = tpu.vector_load %arg6[%get3A_377] {strides = array<i32>} : memref<128xf32, #tpu.memory_space<vmem>>, vector<16xf32>,
      %add3A_379 = arith.constant 12 : i32
      %add3A_380 = vector.broadcast %add3A_379 : i32 to vector<16xi32>
      %add3A_381 = arith.addi %shift_right_arithmetic3A_17, %add3A_380 : vector<16xi32>
      %gather3A_382 = tpu.vector_load_idx %arg7[%add3A_381] : memref<32xi32, #tpu.memory_space<vmem>>[vector<16xi32>], vector<16xi32>,
      %shift_right_arithmetic3A_383 = arith.shrsi %gather3A_382, %mul3A_21 : vector<16xi32>
      %and3A_384 = arith.constant 1 : i32
      %and3A_385 = vector.broadcast %and3A_384 : i32 to vector<16xi32>
      %and3A_386 = arith.andi %shift_right_arithmetic3A_383, %and3A_385 : vector<16xi32>
      %convert_element_type3A_387 = arith.sitofp %and3A_386 : vector<16xi32> to vector<16xf32>
      %mul3A_388 = arith.constant 6.250000e-02 : f32
      %mul3A_389 = vector.broadcast %mul3A_388 : f32 to vector<16xf32>
      %mul3A_390 = arith.mulf %get3A_376, %mul3A_389 : vector<16xf32>
      %convert_element_type3A_391 = arith.fptosi %mul3A_390 : vector<16xf32> to vector<16xi32>
      %convert_element_type3A_392 = arith.sitofp %convert_element_type3A_391 : vector<16xi32> to vector<16xf32>
      %sub3A_393 = arith.subf %mul3A_390, %convert_element_type3A_392 : vector<16xf32>
      %gt3A_394 = arith.constant 5.000000e-01 : f32
      %gt3A_395 = vector.broadcast %gt3A_394 : f32 to vector<16xf32>
      %gt3A_396 = arith.cmpf ogt, %sub3A_393, %gt3A_395 : vector<16xf32>
      %jit3A_397 = arith.constant 1.000000e+00 : f32
      %jit3A_398 = arith.constant 0.000000e+00 : f32
      %broadcast_in_dim3A_399 = vector.broadcast %jit3A_397 : f32 to vector<16xf32>
      %broadcast_in_dim3A_400 = vector.broadcast %jit3A_398 : f32 to vector<16xf32>
      %select_n3A_401 = arith.select %gt3A_396, %broadcast_in_dim3A_399, %broadcast_in_dim3A_400 : vector<16xi1>, vector<16xf32>
      %sub3A_402 = arith.subf %sub3A_393, %select_n3A_401 : vector<16xf32>
      %lt3A_403 = arith.constant -5.000000e-01 : f32
      %lt3A_404 = vector.broadcast %lt3A_403 : f32 to vector<16xf32>
      %lt3A_405 = arith.cmpf olt, %sub3A_393, %lt3A_404 : vector<16xf32>
      %jit3A_406 = arith.constant 1.000000e+00 : f32
      %jit3A_407 = arith.constant 0.000000e+00 : f32
      %broadcast_in_dim3A_408 = vector.broadcast %jit3A_406 : f32 to vector<16xf32>
      %broadcast_in_dim3A_409 = vector.broadcast %jit3A_407 : f32 to vector<16xf32>
      %select_n3A_410 = arith.select %lt3A_405, %broadcast_in_dim3A_408, %broadcast_in_dim3A_409 : vector<16xi1>, vector<16xf32>
      %add3A_411 = arith.addf %sub3A_402, %select_n3A_410 : vector<16xf32>
      %mul3A_412 = arith.constant 3.14159274 : f32
      %mul3A_413 = vector.broadcast %mul3A_412 : f32 to vector<16xf32>
      %mul3A_414 = arith.mulf %mul3A_413, %add3A_411 : vector<16xf32>
      %mul3A_415 = arith.mulf %mul3A_414, %mul3A_414 : vector<16xf32>
      %mul3A_416 = arith.constant -2.50521079E-8 : f32
      %mul3A_417 = vector.broadcast %mul3A_416 : f32 to vector<16xf32>
      %mul3A_418 = arith.mulf %mul3A_415, %mul3A_417 : vector<16xf32>
      %add3A_419 = arith.constant 2.75573188E-6 : f32
      %add3A_420 = vector.broadcast %add3A_419 : f32 to vector<16xf32>
      %add3A_421 = arith.addf %add3A_420, %mul3A_418 : vector<16xf32>
      %mul3A_422 = arith.mulf %mul3A_415, %add3A_421 : vector<16xf32>
      %add3A_423 = arith.constant -1.98412701E-4 : f32
      %add3A_424 = vector.broadcast %add3A_423 : f32 to vector<16xf32>
      %add3A_425 = arith.addf %add3A_424, %mul3A_422 : vector<16xf32>
      %mul3A_426 = arith.mulf %mul3A_415, %add3A_425 : vector<16xf32>
      %add3A_427 = arith.constant 0.00833333377 : f32
      %add3A_428 = vector.broadcast %add3A_427 : f32 to vector<16xf32>
      %add3A_429 = arith.addf %add3A_428, %mul3A_426 : vector<16xf32>
      %mul3A_430 = arith.mulf %mul3A_415, %add3A_429 : vector<16xf32>
      %add3A_431 = arith.constant -0.166666672 : f32
      %add3A_432 = vector.broadcast %add3A_431 : f32 to vector<16xf32>
      %add3A_433 = arith.addf %add3A_432, %mul3A_430 : vector<16xf32>
      %mul3A_434 = arith.mulf %mul3A_415, %add3A_433 : vector<16xf32>
      %add3A_435 = arith.constant 1.000000e+00 : f32
      %add3A_436 = vector.broadcast %add3A_435 : f32 to vector<16xf32>
      %add3A_437 = arith.addf %add3A_436, %mul3A_434 : vector<16xf32>
      %mul3A_438 = arith.mulf %mul3A_414, %add3A_437 : vector<16xf32>
      %mul3A_439 = arith.mulf %mul3A_438, %mul3A_438 : vector<16xf32>
      %mul3A_440 = arith.constant 6.250000e-02 : f32
      %mul3A_441 = vector.broadcast %mul3A_440 : f32 to vector<16xf32>
      %mul3A_442 = arith.mulf %get3A_378, %mul3A_441 : vector<16xf32>
      %convert_element_type3A_443 = arith.fptosi %mul3A_442 : vector<16xf32> to vector<16xi32>
      %convert_element_type3A_444 = arith.sitofp %convert_element_type3A_443 : vector<16xi32> to vector<16xf32>
      %sub3A_445 = arith.subf %mul3A_442, %convert_element_type3A_444 : vector<16xf32>
      %gt3A_446 = arith.constant 5.000000e-01 : f32
      %gt3A_447 = vector.broadcast %gt3A_446 : f32 to vector<16xf32>
      %gt3A_448 = arith.cmpf ogt, %sub3A_445, %gt3A_447 : vector<16xf32>
      %jit3A_449 = arith.constant 1.000000e+00 : f32
      %jit3A_450 = arith.constant 0.000000e+00 : f32
      %broadcast_in_dim3A_451 = vector.broadcast %jit3A_449 : f32 to vector<16xf32>
      %broadcast_in_dim3A_452 = vector.broadcast %jit3A_450 : f32 to vector<16xf32>
      %select_n3A_453 = arith.select %gt3A_448, %broadcast_in_dim3A_451, %broadcast_in_dim3A_452 : vector<16xi1>, vector<16xf32>
      %sub3A_454 = arith.subf %sub3A_445, %select_n3A_453 : vector<16xf32>
      %lt3A_455 = arith.constant -5.000000e-01 : f32
      %lt3A_456 = vector.broadcast %lt3A_455 : f32 to vector<16xf32>
      %lt3A_457 = arith.cmpf olt, %sub3A_445, %lt3A_456 : vector<16xf32>
      %jit3A_458 = arith.constant 1.000000e+00 : f32
      %jit3A_459 = arith.constant 0.000000e+00 : f32
      %broadcast_in_dim3A_460 = vector.broadcast %jit3A_458 : f32 to vector<16xf32>
      %broadcast_in_dim3A_461 = vector.broadcast %jit3A_459 : f32 to vector<16xf32>
      %select_n3A_462 = arith.select %lt3A_457, %broadcast_in_dim3A_460, %broadcast_in_dim3A_461 : vector<16xi1>, vector<16xf32>
      %add3A_463 = arith.addf %sub3A_454, %select_n3A_462 : vector<16xf32>
      %mul3A_464 = arith.constant 3.14159274 : f32
      %mul3A_465 = vector.broadcast %mul3A_464 : f32 to vector<16xf32>
      %mul3A_466 = arith.mulf %mul3A_465, %add3A_463 : vector<16xf32>
      %mul3A_467 = arith.mulf %mul3A_466, %mul3A_466 : vector<16xf32>
      %mul3A_468 = arith.constant -2.50521079E-8 : f32
      %mul3A_469 = vector.broadcast %mul3A_468 : f32 to vector<16xf32>
      %mul3A_470 = arith.mulf %mul3A_467, %mul3A_469 : vector<16xf32>
      %add3A_471 = arith.constant 2.75573188E-6 : f32
      %add3A_472 = vector.broadcast %add3A_471 : f32 to vector<16xf32>
      %add3A_473 = arith.addf %add3A_472, %mul3A_470 : vector<16xf32>
      %mul3A_474 = arith.mulf %mul3A_467, %add3A_473 : vector<16xf32>
      %add3A_475 = arith.constant -1.98412701E-4 : f32
      %add3A_476 = vector.broadcast %add3A_475 : f32 to vector<16xf32>
      %add3A_477 = arith.addf %add3A_476, %mul3A_474 : vector<16xf32>
      %mul3A_478 = arith.mulf %mul3A_467, %add3A_477 : vector<16xf32>
      %add3A_479 = arith.constant 0.00833333377 : f32
      %add3A_480 = vector.broadcast %add3A_479 : f32 to vector<16xf32>
      %add3A_481 = arith.addf %add3A_480, %mul3A_478 : vector<16xf32>
      %mul3A_482 = arith.mulf %mul3A_467, %add3A_481 : vector<16xf32>
      %add3A_483 = arith.constant -0.166666672 : f32
      %add3A_484 = vector.broadcast %add3A_483 : f32 to vector<16xf32>
      %add3A_485 = arith.addf %add3A_484, %mul3A_482 : vector<16xf32>
      %mul3A_486 = arith.mulf %mul3A_467, %add3A_485 : vector<16xf32>
      %add3A_487 = arith.constant 1.000000e+00 : f32
      %add3A_488 = vector.broadcast %add3A_487 : f32 to vector<16xf32>
      %add3A_489 = arith.addf %add3A_488, %mul3A_486 : vector<16xf32>
      %mul3A_490 = arith.mulf %mul3A_466, %add3A_489 : vector<16xf32>
      %mul3A_491 = arith.mulf %mul3A_490, %mul3A_490 : vector<16xf32>
      %add3A_492 = arith.addf %mul3A_439, %mul3A_491 : vector<16xf32>
      %mul3A_493 = arith.mulf %convert_element_type3A_387, %add3A_492 : vector<16xf32>
      %add3A_494 = arith.addf %add3A_374, %mul3A_493 : vector<16xf32>
      %get3A_495 = arith.constant 64 : index
      %get3A_496 = tpu.vector_load %arg5[%get3A_495] {strides = array<i32>} : memref<128xf32, #tpu.memory_space<vmem>>, vector<16xf32>,
      %get3A_497 = arith.constant 64 : index
      %get3A_498 = tpu.vector_load %arg6[%get3A_497] {strides = array<i32>} : memref<128xf32, #tpu.memory_space<vmem>>, vector<16xf32>,
      %add3A_499 = arith.constant 16 : i32
      %add3A_500 = vector.broadcast %add3A_499 : i32 to vector<16xi32>
      %add3A_501 = arith.addi %shift_right_arithmetic3A_17, %add3A_500 : vector<16xi32>
      %gather3A_502 = tpu.vector_load_idx %arg7[%add3A_501] : memref<32xi32, #tpu.memory_space<vmem>>[vector<16xi32>], vector<16xi32>,
      %shift_right_arithmetic3A_503 = arith.shrsi %gather3A_502, %mul3A_21 : vector<16xi32>
      %and3A_504 = arith.constant 1 : i32
      %and3A_505 = vector.broadcast %and3A_504 : i32 to vector<16xi32>
      %and3A_506 = arith.andi %shift_right_arithmetic3A_503, %and3A_505 : vector<16xi32>
      %convert_element_type3A_507 = arith.sitofp %and3A_506 : vector<16xi32> to vector<16xf32>
      %mul3A_508 = arith.constant 6.250000e-02 : f32
      %mul3A_509 = vector.broadcast %mul3A_508 : f32 to vector<16xf32>
      %mul3A_510 = arith.mulf %get3A_496, %mul3A_509 : vector<16xf32>
      %convert_element_type3A_511 = arith.fptosi %mul3A_510 : vector<16xf32> to vector<16xi32>
      %convert_element_type3A_512 = arith.sitofp %convert_element_type3A_511 : vector<16xi32> to vector<16xf32>
      %sub3A_513 = arith.subf %mul3A_510, %convert_element_type3A_512 : vector<16xf32>
      %gt3A_514 = arith.constant 5.000000e-01 : f32
      %gt3A_515 = vector.broadcast %gt3A_514 : f32 to vector<16xf32>
      %gt3A_516 = arith.cmpf ogt, %sub3A_513, %gt3A_515 : vector<16xf32>
      %jit3A_517 = arith.constant 1.000000e+00 : f32
      %jit3A_518 = arith.constant 0.000000e+00 : f32
      %broadcast_in_dim3A_519 = vector.broadcast %jit3A_517 : f32 to vector<16xf32>
      %broadcast_in_dim3A_520 = vector.broadcast %jit3A_518 : f32 to vector<16xf32>
      %select_n3A_521 = arith.select %gt3A_516, %broadcast_in_dim3A_519, %broadcast_in_dim3A_520 : vector<16xi1>, vector<16xf32>
      %sub3A_522 = arith.subf %sub3A_513, %select_n3A_521 : vector<16xf32>
      %lt3A_523 = arith.constant -5.000000e-01 : f32
      %lt3A_524 = vector.broadcast %lt3A_523 : f32 to vector<16xf32>
      %lt3A_525 = arith.cmpf olt, %sub3A_513, %lt3A_524 : vector<16xf32>
      %jit3A_526 = arith.constant 1.000000e+00 : f32
      %jit3A_527 = arith.constant 0.000000e+00 : f32
      %broadcast_in_dim3A_528 = vector.broadcast %jit3A_526 : f32 to vector<16xf32>
      %broadcast_in_dim3A_529 = vector.broadcast %jit3A_527 : f32 to vector<16xf32>
      %select_n3A_530 = arith.select %lt3A_525, %broadcast_in_dim3A_528, %broadcast_in_dim3A_529 : vector<16xi1>, vector<16xf32>
      %add3A_531 = arith.addf %sub3A_522, %select_n3A_530 : vector<16xf32>
      %mul3A_532 = arith.constant 3.14159274 : f32
      %mul3A_533 = vector.broadcast %mul3A_532 : f32 to vector<16xf32>
      %mul3A_534 = arith.mulf %mul3A_533, %add3A_531 : vector<16xf32>
      %mul3A_535 = arith.mulf %mul3A_534, %mul3A_534 : vector<16xf32>
      %mul3A_536 = arith.constant -2.50521079E-8 : f32
      %mul3A_537 = vector.broadcast %mul3A_536 : f32 to vector<16xf32>
      %mul3A_538 = arith.mulf %mul3A_535, %mul3A_537 : vector<16xf32>
      %add3A_539 = arith.constant 2.75573188E-6 : f32
      %add3A_540 = vector.broadcast %add3A_539 : f32 to vector<16xf32>
      %add3A_541 = arith.addf %add3A_540, %mul3A_538 : vector<16xf32>
      %mul3A_542 = arith.mulf %mul3A_535, %add3A_541 : vector<16xf32>
      %add3A_543 = arith.constant -1.98412701E-4 : f32
      %add3A_544 = vector.broadcast %add3A_543 : f32 to vector<16xf32>
      %add3A_545 = arith.addf %add3A_544, %mul3A_542 : vector<16xf32>
      %mul3A_546 = arith.mulf %mul3A_535, %add3A_545 : vector<16xf32>
      %add3A_547 = arith.constant 0.00833333377 : f32
      %add3A_548 = vector.broadcast %add3A_547 : f32 to vector<16xf32>
      %add3A_549 = arith.addf %add3A_548, %mul3A_546 : vector<16xf32>
      %mul3A_550 = arith.mulf %mul3A_535, %add3A_549 : vector<16xf32>
      %add3A_551 = arith.constant -0.166666672 : f32
      %add3A_552 = vector.broadcast %add3A_551 : f32 to vector<16xf32>
      %add3A_553 = arith.addf %add3A_552, %mul3A_550 : vector<16xf32>
      %mul3A_554 = arith.mulf %mul3A_535, %add3A_553 : vector<16xf32>
      %add3A_555 = arith.constant 1.000000e+00 : f32
      %add3A_556 = vector.broadcast %add3A_555 : f32 to vector<16xf32>
      %add3A_557 = arith.addf %add3A_556, %mul3A_554 : vector<16xf32>
      %mul3A_558 = arith.mulf %mul3A_534, %add3A_557 : vector<16xf32>
      %mul3A_559 = arith.mulf %mul3A_558, %mul3A_558 : vector<16xf32>
      %mul3A_560 = arith.constant 6.250000e-02 : f32
      %mul3A_561 = vector.broadcast %mul3A_560 : f32 to vector<16xf32>
      %mul3A_562 = arith.mulf %get3A_498, %mul3A_561 : vector<16xf32>
      %convert_element_type3A_563 = arith.fptosi %mul3A_562 : vector<16xf32> to vector<16xi32>
      %convert_element_type3A_564 = arith.sitofp %convert_element_type3A_563 : vector<16xi32> to vector<16xf32>
      %sub3A_565 = arith.subf %mul3A_562, %convert_element_type3A_564 : vector<16xf32>
      %gt3A_566 = arith.constant 5.000000e-01 : f32
      %gt3A_567 = vector.broadcast %gt3A_566 : f32 to vector<16xf32>
      %gt3A_568 = arith.cmpf ogt, %sub3A_565, %gt3A_567 : vector<16xf32>
      %jit3A_569 = arith.constant 1.000000e+00 : f32
      %jit3A_570 = arith.constant 0.000000e+00 : f32
      %broadcast_in_dim3A_571 = vector.broadcast %jit3A_569 : f32 to vector<16xf32>
      %broadcast_in_dim3A_572 = vector.broadcast %jit3A_570 : f32 to vector<16xf32>
      %select_n3A_573 = arith.select %gt3A_568, %broadcast_in_dim3A_571, %broadcast_in_dim3A_572 : vector<16xi1>, vector<16xf32>
      %sub3A_574 = arith.subf %sub3A_565, %select_n3A_573 : vector<16xf32>
      %lt3A_575 = arith.constant -5.000000e-01 : f32
      %lt3A_576 = vector.broadcast %lt3A_575 : f32 to vector<16xf32>
      %lt3A_577 = arith.cmpf olt, %sub3A_565, %lt3A_576 : vector<16xf32>
      %jit3A_578 = arith.constant 1.000000e+00 : f32
      %jit3A_579 = arith.constant 0.000000e+00 : f32
      %broadcast_in_dim3A_580 = vector.broadcast %jit3A_578 : f32 to vector<16xf32>
      %broadcast_in_dim3A_581 = vector.broadcast %jit3A_579 : f32 to vector<16xf32>
      %select_n3A_582 = arith.select %lt3A_577, %broadcast_in_dim3A_580, %broadcast_in_dim3A_581 : vector<16xi1>, vector<16xf32>
      %add3A_583 = arith.addf %sub3A_574, %select_n3A_582 : vector<16xf32>
      %mul3A_584 = arith.constant 3.14159274 : f32
      %mul3A_585 = vector.broadcast %mul3A_584 : f32 to vector<16xf32>
      %mul3A_586 = arith.mulf %mul3A_585, %add3A_583 : vector<16xf32>
      %mul3A_587 = arith.mulf %mul3A_586, %mul3A_586 : vector<16xf32>
      %mul3A_588 = arith.constant -2.50521079E-8 : f32
      %mul3A_589 = vector.broadcast %mul3A_588 : f32 to vector<16xf32>
      %mul3A_590 = arith.mulf %mul3A_587, %mul3A_589 : vector<16xf32>
      %add3A_591 = arith.constant 2.75573188E-6 : f32
      %add3A_592 = vector.broadcast %add3A_591 : f32 to vector<16xf32>
      %add3A_593 = arith.addf %add3A_592, %mul3A_590 : vector<16xf32>
      %mul3A_594 = arith.mulf %mul3A_587, %add3A_593 : vector<16xf32>
      %add3A_595 = arith.constant -1.98412701E-4 : f32
      %add3A_596 = vector.broadcast %add3A_595 : f32 to vector<16xf32>
      %add3A_597 = arith.addf %add3A_596, %mul3A_594 : vector<16xf32>
      %mul3A_598 = arith.mulf %mul3A_587, %add3A_597 : vector<16xf32>
      %add3A_599 = arith.constant 0.00833333377 : f32
      %add3A_600 = vector.broadcast %add3A_599 : f32 to vector<16xf32>
      %add3A_601 = arith.addf %add3A_600, %mul3A_598 : vector<16xf32>
      %mul3A_602 = arith.mulf %mul3A_587, %add3A_601 : vector<16xf32>
      %add3A_603 = arith.constant -0.166666672 : f32
      %add3A_604 = vector.broadcast %add3A_603 : f32 to vector<16xf32>
      %add3A_605 = arith.addf %add3A_604, %mul3A_602 : vector<16xf32>
      %mul3A_606 = arith.mulf %mul3A_587, %add3A_605 : vector<16xf32>
      %add3A_607 = arith.constant 1.000000e+00 : f32
      %add3A_608 = vector.broadcast %add3A_607 : f32 to vector<16xf32>
      %add3A_609 = arith.addf %add3A_608, %mul3A_606 : vector<16xf32>
      %mul3A_610 = arith.mulf %mul3A_586, %add3A_609 : vector<16xf32>
      %mul3A_611 = arith.mulf %mul3A_610, %mul3A_610 : vector<16xf32>
      %add3A_612 = arith.addf %mul3A_559, %mul3A_611 : vector<16xf32>
      %mul3A_613 = arith.mulf %convert_element_type3A_507, %add3A_612 : vector<16xf32>
      %add3A_614 = arith.addf %add3A_494, %mul3A_613 : vector<16xf32>
      %get3A_615 = arith.constant 80 : index
      %get3A_616 = tpu.vector_load %arg5[%get3A_615] {strides = array<i32>} : memref<128xf32, #tpu.memory_space<vmem>>, vector<16xf32>,
      %get3A_617 = arith.constant 80 : index
      %get3A_618 = tpu.vector_load %arg6[%get3A_617] {strides = array<i32>} : memref<128xf32, #tpu.memory_space<vmem>>, vector<16xf32>,
      %add3A_619 = arith.constant 20 : i32
      %add3A_620 = vector.broadcast %add3A_619 : i32 to vector<16xi32>
      %add3A_621 = arith.addi %shift_right_arithmetic3A_17, %add3A_620 : vector<16xi32>
      %gather3A_622 = tpu.vector_load_idx %arg7[%add3A_621] : memref<32xi32, #tpu.memory_space<vmem>>[vector<16xi32>], vector<16xi32>,
      %shift_right_arithmetic3A_623 = arith.shrsi %gather3A_622, %mul3A_21 : vector<16xi32>
      %and3A_624 = arith.constant 1 : i32
      %and3A_625 = vector.broadcast %and3A_624 : i32 to vector<16xi32>
      %and3A_626 = arith.andi %shift_right_arithmetic3A_623, %and3A_625 : vector<16xi32>
      %convert_element_type3A_627 = arith.sitofp %and3A_626 : vector<16xi32> to vector<16xf32>
      %mul3A_628 = arith.constant 6.250000e-02 : f32
      %mul3A_629 = vector.broadcast %mul3A_628 : f32 to vector<16xf32>
      %mul3A_630 = arith.mulf %get3A_616, %mul3A_629 : vector<16xf32>
      %convert_element_type3A_631 = arith.fptosi %mul3A_630 : vector<16xf32> to vector<16xi32>
      %convert_element_type3A_632 = arith.sitofp %convert_element_type3A_631 : vector<16xi32> to vector<16xf32>
      %sub3A_633 = arith.subf %mul3A_630, %convert_element_type3A_632 : vector<16xf32>
      %gt3A_634 = arith.constant 5.000000e-01 : f32
      %gt3A_635 = vector.broadcast %gt3A_634 : f32 to vector<16xf32>
      %gt3A_636 = arith.cmpf ogt, %sub3A_633, %gt3A_635 : vector<16xf32>
      %jit3A_637 = arith.constant 1.000000e+00 : f32
      %jit3A_638 = arith.constant 0.000000e+00 : f32
      %broadcast_in_dim3A_639 = vector.broadcast %jit3A_637 : f32 to vector<16xf32>
      %broadcast_in_dim3A_640 = vector.broadcast %jit3A_638 : f32 to vector<16xf32>
      %select_n3A_641 = arith.select %gt3A_636, %broadcast_in_dim3A_639, %broadcast_in_dim3A_640 : vector<16xi1>, vector<16xf32>
      %sub3A_642 = arith.subf %sub3A_633, %select_n3A_641 : vector<16xf32>
      %lt3A_643 = arith.constant -5.000000e-01 : f32
      %lt3A_644 = vector.broadcast %lt3A_643 : f32 to vector<16xf32>
      %lt3A_645 = arith.cmpf olt, %sub3A_633, %lt3A_644 : vector<16xf32>
      %jit3A_646 = arith.constant 1.000000e+00 : f32
      %jit3A_647 = arith.constant 0.000000e+00 : f32
      %broadcast_in_dim3A_648 = vector.broadcast %jit3A_646 : f32 to vector<16xf32>
      %broadcast_in_dim3A_649 = vector.broadcast %jit3A_647 : f32 to vector<16xf32>
      %select_n3A_650 = arith.select %lt3A_645, %broadcast_in_dim3A_648, %broadcast_in_dim3A_649 : vector<16xi1>, vector<16xf32>
      %add3A_651 = arith.addf %sub3A_642, %select_n3A_650 : vector<16xf32>
      %mul3A_652 = arith.constant 3.14159274 : f32
      %mul3A_653 = vector.broadcast %mul3A_652 : f32 to vector<16xf32>
      %mul3A_654 = arith.mulf %mul3A_653, %add3A_651 : vector<16xf32>
      %mul3A_655 = arith.mulf %mul3A_654, %mul3A_654 : vector<16xf32>
      %mul3A_656 = arith.constant -2.50521079E-8 : f32
      %mul3A_657 = vector.broadcast %mul3A_656 : f32 to vector<16xf32>
      %mul3A_658 = arith.mulf %mul3A_655, %mul3A_657 : vector<16xf32>
      %add3A_659 = arith.constant 2.75573188E-6 : f32
      %add3A_660 = vector.broadcast %add3A_659 : f32 to vector<16xf32>
      %add3A_661 = arith.addf %add3A_660, %mul3A_658 : vector<16xf32>
      %mul3A_662 = arith.mulf %mul3A_655, %add3A_661 : vector<16xf32>
      %add3A_663 = arith.constant -1.98412701E-4 : f32
      %add3A_664 = vector.broadcast %add3A_663 : f32 to vector<16xf32>
      %add3A_665 = arith.addf %add3A_664, %mul3A_662 : vector<16xf32>
      %mul3A_666 = arith.mulf %mul3A_655, %add3A_665 : vector<16xf32>
      %add3A_667 = arith.constant 0.00833333377 : f32
      %add3A_668 = vector.broadcast %add3A_667 : f32 to vector<16xf32>
      %add3A_669 = arith.addf %add3A_668, %mul3A_666 : vector<16xf32>
      %mul3A_670 = arith.mulf %mul3A_655, %add3A_669 : vector<16xf32>
      %add3A_671 = arith.constant -0.166666672 : f32
      %add3A_672 = vector.broadcast %add3A_671 : f32 to vector<16xf32>
      %add3A_673 = arith.addf %add3A_672, %mul3A_670 : vector<16xf32>
      %mul3A_674 = arith.mulf %mul3A_655, %add3A_673 : vector<16xf32>
      %add3A_675 = arith.constant 1.000000e+00 : f32
      %add3A_676 = vector.broadcast %add3A_675 : f32 to vector<16xf32>
      %add3A_677 = arith.addf %add3A_676, %mul3A_674 : vector<16xf32>
      %mul3A_678 = arith.mulf %mul3A_654, %add3A_677 : vector<16xf32>
      %mul3A_679 = arith.mulf %mul3A_678, %mul3A_678 : vector<16xf32>
      %mul3A_680 = arith.constant 6.250000e-02 : f32
      %mul3A_681 = vector.broadcast %mul3A_680 : f32 to vector<16xf32>
      %mul3A_682 = arith.mulf %get3A_618, %mul3A_681 : vector<16xf32>
      %convert_element_type3A_683 = arith.fptosi %mul3A_682 : vector<16xf32> to vector<16xi32>
      %convert_element_type3A_684 = arith.sitofp %convert_element_type3A_683 : vector<16xi32> to vector<16xf32>
      %sub3A_685 = arith.subf %mul3A_682, %convert_element_type3A_684 : vector<16xf32>
      %gt3A_686 = arith.constant 5.000000e-01 : f32
      %gt3A_687 = vector.broadcast %gt3A_686 : f32 to vector<16xf32>
      %gt3A_688 = arith.cmpf ogt, %sub3A_685, %gt3A_687 : vector<16xf32>
      %jit3A_689 = arith.constant 1.000000e+00 : f32
      %jit3A_690 = arith.constant 0.000000e+00 : f32
      %broadcast_in_dim3A_691 = vector.broadcast %jit3A_689 : f32 to vector<16xf32>
      %broadcast_in_dim3A_692 = vector.broadcast %jit3A_690 : f32 to vector<16xf32>
      %select_n3A_693 = arith.select %gt3A_688, %broadcast_in_dim3A_691, %broadcast_in_dim3A_692 : vector<16xi1>, vector<16xf32>
      %sub3A_694 = arith.subf %sub3A_685, %select_n3A_693 : vector<16xf32>
      %lt3A_695 = arith.constant -5.000000e-01 : f32
      %lt3A_696 = vector.broadcast %lt3A_695 : f32 to vector<16xf32>
      %lt3A_697 = arith.cmpf olt, %sub3A_685, %lt3A_696 : vector<16xf32>
      %jit3A_698 = arith.constant 1.000000e+00 : f32
      %jit3A_699 = arith.constant 0.000000e+00 : f32
      %broadcast_in_dim3A_700 = vector.broadcast %jit3A_698 : f32 to vector<16xf32>
      %broadcast_in_dim3A_701 = vector.broadcast %jit3A_699 : f32 to vector<16xf32>
      %select_n3A_702 = arith.select %lt3A_697, %broadcast_in_dim3A_700, %broadcast_in_dim3A_701 : vector<16xi1>, vector<16xf32>
      %add3A_703 = arith.addf %sub3A_694, %select_n3A_702 : vector<16xf32>
      %mul3A_704 = arith.constant 3.14159274 : f32
      %mul3A_705 = vector.broadcast %mul3A_704 : f32 to vector<16xf32>
      %mul3A_706 = arith.mulf %mul3A_705, %add3A_703 : vector<16xf32>
      %mul3A_707 = arith.mulf %mul3A_706, %mul3A_706 : vector<16xf32>
      %mul3A_708 = arith.constant -2.50521079E-8 : f32
      %mul3A_709 = vector.broadcast %mul3A_708 : f32 to vector<16xf32>
      %mul3A_710 = arith.mulf %mul3A_707, %mul3A_709 : vector<16xf32>
      %add3A_711 = arith.constant 2.75573188E-6 : f32
      %add3A_712 = vector.broadcast %add3A_711 : f32 to vector<16xf32>
      %add3A_713 = arith.addf %add3A_712, %mul3A_710 : vector<16xf32>
      %mul3A_714 = arith.mulf %mul3A_707, %add3A_713 : vector<16xf32>
      %add3A_715 = arith.constant -1.98412701E-4 : f32
      %add3A_716 = vector.broadcast %add3A_715 : f32 to vector<16xf32>
      %add3A_717 = arith.addf %add3A_716, %mul3A_714 : vector<16xf32>
      %mul3A_718 = arith.mulf %mul3A_707, %add3A_717 : vector<16xf32>
      %add3A_719 = arith.constant 0.00833333377 : f32
      %add3A_720 = vector.broadcast %add3A_719 : f32 to vector<16xf32>
      %add3A_721 = arith.addf %add3A_720, %mul3A_718 : vector<16xf32>
      %mul3A_722 = arith.mulf %mul3A_707, %add3A_721 : vector<16xf32>
      %add3A_723 = arith.constant -0.166666672 : f32
      %add3A_724 = vector.broadcast %add3A_723 : f32 to vector<16xf32>
      %add3A_725 = arith.addf %add3A_724, %mul3A_722 : vector<16xf32>
      %mul3A_726 = arith.mulf %mul3A_707, %add3A_725 : vector<16xf32>
      %add3A_727 = arith.constant 1.000000e+00 : f32
      %add3A_728 = vector.broadcast %add3A_727 : f32 to vector<16xf32>
      %add3A_729 = arith.addf %add3A_728, %mul3A_726 : vector<16xf32>
      %mul3A_730 = arith.mulf %mul3A_706, %add3A_729 : vector<16xf32>
      %mul3A_731 = arith.mulf %mul3A_730, %mul3A_730 : vector<16xf32>
      %add3A_732 = arith.addf %mul3A_679, %mul3A_731 : vector<16xf32>
      %mul3A_733 = arith.mulf %convert_element_type3A_627, %add3A_732 : vector<16xf32>
      %add3A_734 = arith.addf %add3A_614, %mul3A_733 : vector<16xf32>
      %get3A_735 = arith.constant 96 : index
      %get3A_736 = tpu.vector_load %arg5[%get3A_735] {strides = array<i32>} : memref<128xf32, #tpu.memory_space<vmem>>, vector<16xf32>,
      %get3A_737 = arith.constant 96 : index
      %get3A_738 = tpu.vector_load %arg6[%get3A_737] {strides = array<i32>} : memref<128xf32, #tpu.memory_space<vmem>>, vector<16xf32>,
      %add3A_739 = arith.constant 24 : i32
      %add3A_740 = vector.broadcast %add3A_739 : i32 to vector<16xi32>
      %add3A_741 = arith.addi %shift_right_arithmetic3A_17, %add3A_740 : vector<16xi32>
      %gather3A_742 = tpu.vector_load_idx %arg7[%add3A_741] : memref<32xi32, #tpu.memory_space<vmem>>[vector<16xi32>], vector<16xi32>,
      %shift_right_arithmetic3A_743 = arith.shrsi %gather3A_742, %mul3A_21 : vector<16xi32>
      %and3A_744 = arith.constant 1 : i32
      %and3A_745 = vector.broadcast %and3A_744 : i32 to vector<16xi32>
      %and3A_746 = arith.andi %shift_right_arithmetic3A_743, %and3A_745 : vector<16xi32>
      %convert_element_type3A_747 = arith.sitofp %and3A_746 : vector<16xi32> to vector<16xf32>
      %mul3A_748 = arith.constant 6.250000e-02 : f32
      %mul3A_749 = vector.broadcast %mul3A_748 : f32 to vector<16xf32>
      %mul3A_750 = arith.mulf %get3A_736, %mul3A_749 : vector<16xf32>
      %convert_element_type3A_751 = arith.fptosi %mul3A_750 : vector<16xf32> to vector<16xi32>
      %convert_element_type3A_752 = arith.sitofp %convert_element_type3A_751 : vector<16xi32> to vector<16xf32>
      %sub3A_753 = arith.subf %mul3A_750, %convert_element_type3A_752 : vector<16xf32>
      %gt3A_754 = arith.constant 5.000000e-01 : f32
      %gt3A_755 = vector.broadcast %gt3A_754 : f32 to vector<16xf32>
      %gt3A_756 = arith.cmpf ogt, %sub3A_753, %gt3A_755 : vector<16xf32>
      %jit3A_757 = arith.constant 1.000000e+00 : f32
      %jit3A_758 = arith.constant 0.000000e+00 : f32
      %broadcast_in_dim3A_759 = vector.broadcast %jit3A_757 : f32 to vector<16xf32>
      %broadcast_in_dim3A_760 = vector.broadcast %jit3A_758 : f32 to vector<16xf32>
      %select_n3A_761 = arith.select %gt3A_756, %broadcast_in_dim3A_759, %broadcast_in_dim3A_760 : vector<16xi1>, vector<16xf32>
      %sub3A_762 = arith.subf %sub3A_753, %select_n3A_761 : vector<16xf32>
      %lt3A_763 = arith.constant -5.000000e-01 : f32
      %lt3A_764 = vector.broadcast %lt3A_763 : f32 to vector<16xf32>
      %lt3A_765 = arith.cmpf olt, %sub3A_753, %lt3A_764 : vector<16xf32>
      %jit3A_766 = arith.constant 1.000000e+00 : f32
      %jit3A_767 = arith.constant 0.000000e+00 : f32
      %broadcast_in_dim3A_768 = vector.broadcast %jit3A_766 : f32 to vector<16xf32>
      %broadcast_in_dim3A_769 = vector.broadcast %jit3A_767 : f32 to vector<16xf32>
      %select_n3A_770 = arith.select %lt3A_765, %broadcast_in_dim3A_768, %broadcast_in_dim3A_769 : vector<16xi1>, vector<16xf32>
      %add3A_771 = arith.addf %sub3A_762, %select_n3A_770 : vector<16xf32>
      %mul3A_772 = arith.constant 3.14159274 : f32
      %mul3A_773 = vector.broadcast %mul3A_772 : f32 to vector<16xf32>
      %mul3A_774 = arith.mulf %mul3A_773, %add3A_771 : vector<16xf32>
      %mul3A_775 = arith.mulf %mul3A_774, %mul3A_774 : vector<16xf32>
      %mul3A_776 = arith.constant -2.50521079E-8 : f32
      %mul3A_777 = vector.broadcast %mul3A_776 : f32 to vector<16xf32>
      %mul3A_778 = arith.mulf %mul3A_775, %mul3A_777 : vector<16xf32>
      %add3A_779 = arith.constant 2.75573188E-6 : f32
      %add3A_780 = vector.broadcast %add3A_779 : f32 to vector<16xf32>
      %add3A_781 = arith.addf %add3A_780, %mul3A_778 : vector<16xf32>
      %mul3A_782 = arith.mulf %mul3A_775, %add3A_781 : vector<16xf32>
      %add3A_783 = arith.constant -1.98412701E-4 : f32
      %add3A_784 = vector.broadcast %add3A_783 : f32 to vector<16xf32>
      %add3A_785 = arith.addf %add3A_784, %mul3A_782 : vector<16xf32>
      %mul3A_786 = arith.mulf %mul3A_775, %add3A_785 : vector<16xf32>
      %add3A_787 = arith.constant 0.00833333377 : f32
      %add3A_788 = vector.broadcast %add3A_787 : f32 to vector<16xf32>
      %add3A_789 = arith.addf %add3A_788, %mul3A_786 : vector<16xf32>
      %mul3A_790 = arith.mulf %mul3A_775, %add3A_789 : vector<16xf32>
      %add3A_791 = arith.constant -0.166666672 : f32
      %add3A_792 = vector.broadcast %add3A_791 : f32 to vector<16xf32>
      %add3A_793 = arith.addf %add3A_792, %mul3A_790 : vector<16xf32>
      %mul3A_794 = arith.mulf %mul3A_775, %add3A_793 : vector<16xf32>
      %add3A_795 = arith.constant 1.000000e+00 : f32
      %add3A_796 = vector.broadcast %add3A_795 : f32 to vector<16xf32>
      %add3A_797 = arith.addf %add3A_796, %mul3A_794 : vector<16xf32>
      %mul3A_798 = arith.mulf %mul3A_774, %add3A_797 : vector<16xf32>
      %mul3A_799 = arith.mulf %mul3A_798, %mul3A_798 : vector<16xf32>
      %mul3A_800 = arith.constant 6.250000e-02 : f32
      %mul3A_801 = vector.broadcast %mul3A_800 : f32 to vector<16xf32>
      %mul3A_802 = arith.mulf %get3A_738, %mul3A_801 : vector<16xf32>
      %convert_element_type3A_803 = arith.fptosi %mul3A_802 : vector<16xf32> to vector<16xi32>
      %convert_element_type3A_804 = arith.sitofp %convert_element_type3A_803 : vector<16xi32> to vector<16xf32>
      %sub3A_805 = arith.subf %mul3A_802, %convert_element_type3A_804 : vector<16xf32>
      %gt3A_806 = arith.constant 5.000000e-01 : f32
      %gt3A_807 = vector.broadcast %gt3A_806 : f32 to vector<16xf32>
      %gt3A_808 = arith.cmpf ogt, %sub3A_805, %gt3A_807 : vector<16xf32>
      %jit3A_809 = arith.constant 1.000000e+00 : f32
      %jit3A_810 = arith.constant 0.000000e+00 : f32
      %broadcast_in_dim3A_811 = vector.broadcast %jit3A_809 : f32 to vector<16xf32>
      %broadcast_in_dim3A_812 = vector.broadcast %jit3A_810 : f32 to vector<16xf32>
      %select_n3A_813 = arith.select %gt3A_808, %broadcast_in_dim3A_811, %broadcast_in_dim3A_812 : vector<16xi1>, vector<16xf32>
      %sub3A_814 = arith.subf %sub3A_805, %select_n3A_813 : vector<16xf32>
      %lt3A_815 = arith.constant -5.000000e-01 : f32
      %lt3A_816 = vector.broadcast %lt3A_815 : f32 to vector<16xf32>
      %lt3A_817 = arith.cmpf olt, %sub3A_805, %lt3A_816 : vector<16xf32>
      %jit3A_818 = arith.constant 1.000000e+00 : f32
      %jit3A_819 = arith.constant 0.000000e+00 : f32
      %broadcast_in_dim3A_820 = vector.broadcast %jit3A_818 : f32 to vector<16xf32>
      %broadcast_in_dim3A_821 = vector.broadcast %jit3A_819 : f32 to vector<16xf32>
      %select_n3A_822 = arith.select %lt3A_817, %broadcast_in_dim3A_820, %broadcast_in_dim3A_821 : vector<16xi1>, vector<16xf32>
      %add3A_823 = arith.addf %sub3A_814, %select_n3A_822 : vector<16xf32>
      %mul3A_824 = arith.constant 3.14159274 : f32
      %mul3A_825 = vector.broadcast %mul3A_824 : f32 to vector<16xf32>
      %mul3A_826 = arith.mulf %mul3A_825, %add3A_823 : vector<16xf32>
      %mul3A_827 = arith.mulf %mul3A_826, %mul3A_826 : vector<16xf32>
      %mul3A_828 = arith.constant -2.50521079E-8 : f32
      %mul3A_829 = vector.broadcast %mul3A_828 : f32 to vector<16xf32>
      %mul3A_830 = arith.mulf %mul3A_827, %mul3A_829 : vector<16xf32>
      %add3A_831 = arith.constant 2.75573188E-6 : f32
      %add3A_832 = vector.broadcast %add3A_831 : f32 to vector<16xf32>
      %add3A_833 = arith.addf %add3A_832, %mul3A_830 : vector<16xf32>
      %mul3A_834 = arith.mulf %mul3A_827, %add3A_833 : vector<16xf32>
      %add3A_835 = arith.constant -1.98412701E-4 : f32
      %add3A_836 = vector.broadcast %add3A_835 : f32 to vector<16xf32>
      %add3A_837 = arith.addf %add3A_836, %mul3A_834 : vector<16xf32>
      %mul3A_838 = arith.mulf %mul3A_827, %add3A_837 : vector<16xf32>
      %add3A_839 = arith.constant 0.00833333377 : f32
      %add3A_840 = vector.broadcast %add3A_839 : f32 to vector<16xf32>
      %add3A_841 = arith.addf %add3A_840, %mul3A_838 : vector<16xf32>
      %mul3A_842 = arith.mulf %mul3A_827, %add3A_841 : vector<16xf32>
      %add3A_843 = arith.constant -0.166666672 : f32
      %add3A_844 = vector.broadcast %add3A_843 : f32 to vector<16xf32>
      %add3A_845 = arith.addf %add3A_844, %mul3A_842 : vector<16xf32>
      %mul3A_846 = arith.mulf %mul3A_827, %add3A_845 : vector<16xf32>
      %add3A_847 = arith.constant 1.000000e+00 : f32
      %add3A_848 = vector.broadcast %add3A_847 : f32 to vector<16xf32>
      %add3A_849 = arith.addf %add3A_848, %mul3A_846 : vector<16xf32>
      %mul3A_850 = arith.mulf %mul3A_826, %add3A_849 : vector<16xf32>
      %mul3A_851 = arith.mulf %mul3A_850, %mul3A_850 : vector<16xf32>
      %add3A_852 = arith.addf %mul3A_799, %mul3A_851 : vector<16xf32>
      %mul3A_853 = arith.mulf %convert_element_type3A_747, %add3A_852 : vector<16xf32>
      %add3A_854 = arith.addf %add3A_734, %mul3A_853 : vector<16xf32>
      %get3A_855 = arith.constant 112 : index
      %get3A_856 = tpu.vector_load %arg5[%get3A_855] {strides = array<i32>} : memref<128xf32, #tpu.memory_space<vmem>>, vector<16xf32>,
      %get3A_857 = arith.constant 112 : index
      %get3A_858 = tpu.vector_load %arg6[%get3A_857] {strides = array<i32>} : memref<128xf32, #tpu.memory_space<vmem>>, vector<16xf32>,
      %add3A_859 = arith.constant 28 : i32
      %add3A_860 = vector.broadcast %add3A_859 : i32 to vector<16xi32>
      %add3A_861 = arith.addi %shift_right_arithmetic3A_17, %add3A_860 : vector<16xi32>
      %gather3A_862 = tpu.vector_load_idx %arg7[%add3A_861] : memref<32xi32, #tpu.memory_space<vmem>>[vector<16xi32>], vector<16xi32>,
      %shift_right_arithmetic3A_863 = arith.shrsi %gather3A_862, %mul3A_21 : vector<16xi32>
      %and3A_864 = arith.constant 1 : i32
      %and3A_865 = vector.broadcast %and3A_864 : i32 to vector<16xi32>
      %and3A_866 = arith.andi %shift_right_arithmetic3A_863, %and3A_865 : vector<16xi32>
      %convert_element_type3A_867 = arith.sitofp %and3A_866 : vector<16xi32> to vector<16xf32>
      %mul3A_868 = arith.constant 6.250000e-02 : f32
      %mul3A_869 = vector.broadcast %mul3A_868 : f32 to vector<16xf32>
      %mul3A_870 = arith.mulf %get3A_856, %mul3A_869 : vector<16xf32>
      %convert_element_type3A_871 = arith.fptosi %mul3A_870 : vector<16xf32> to vector<16xi32>
      %convert_element_type3A_872 = arith.sitofp %convert_element_type3A_871 : vector<16xi32> to vector<16xf32>
      %sub3A_873 = arith.subf %mul3A_870, %convert_element_type3A_872 : vector<16xf32>
      %gt3A_874 = arith.constant 5.000000e-01 : f32
      %gt3A_875 = vector.broadcast %gt3A_874 : f32 to vector<16xf32>
      %gt3A_876 = arith.cmpf ogt, %sub3A_873, %gt3A_875 : vector<16xf32>
      %jit3A_877 = arith.constant 1.000000e+00 : f32
      %jit3A_878 = arith.constant 0.000000e+00 : f32
      %broadcast_in_dim3A_879 = vector.broadcast %jit3A_877 : f32 to vector<16xf32>
      %broadcast_in_dim3A_880 = vector.broadcast %jit3A_878 : f32 to vector<16xf32>
      %select_n3A_881 = arith.select %gt3A_876, %broadcast_in_dim3A_879, %broadcast_in_dim3A_880 : vector<16xi1>, vector<16xf32>
      %sub3A_882 = arith.subf %sub3A_873, %select_n3A_881 : vector<16xf32>
      %lt3A_883 = arith.constant -5.000000e-01 : f32
      %lt3A_884 = vector.broadcast %lt3A_883 : f32 to vector<16xf32>
      %lt3A_885 = arith.cmpf olt, %sub3A_873, %lt3A_884 : vector<16xf32>
      %jit3A_886 = arith.constant 1.000000e+00 : f32
      %jit3A_887 = arith.constant 0.000000e+00 : f32
      %broadcast_in_dim3A_888 = vector.broadcast %jit3A_886 : f32 to vector<16xf32>
      %broadcast_in_dim3A_889 = vector.broadcast %jit3A_887 : f32 to vector<16xf32>
      %select_n3A_890 = arith.select %lt3A_885, %broadcast_in_dim3A_888, %broadcast_in_dim3A_889 : vector<16xi1>, vector<16xf32>
      %add3A_891 = arith.addf %sub3A_882, %select_n3A_890 : vector<16xf32>
      %mul3A_892 = arith.constant 3.14159274 : f32
      %mul3A_893 = vector.broadcast %mul3A_892 : f32 to vector<16xf32>
      %mul3A_894 = arith.mulf %mul3A_893, %add3A_891 : vector<16xf32>
      %mul3A_895 = arith.mulf %mul3A_894, %mul3A_894 : vector<16xf32>
      %mul3A_896 = arith.constant -2.50521079E-8 : f32
      %mul3A_897 = vector.broadcast %mul3A_896 : f32 to vector<16xf32>
      %mul3A_898 = arith.mulf %mul3A_895, %mul3A_897 : vector<16xf32>
      %add3A_899 = arith.constant 2.75573188E-6 : f32
      %add3A_900 = vector.broadcast %add3A_899 : f32 to vector<16xf32>
      %add3A_901 = arith.addf %add3A_900, %mul3A_898 : vector<16xf32>
      %mul3A_902 = arith.mulf %mul3A_895, %add3A_901 : vector<16xf32>
      %add3A_903 = arith.constant -1.98412701E-4 : f32
      %add3A_904 = vector.broadcast %add3A_903 : f32 to vector<16xf32>
      %add3A_905 = arith.addf %add3A_904, %mul3A_902 : vector<16xf32>
      %mul3A_906 = arith.mulf %mul3A_895, %add3A_905 : vector<16xf32>
      %add3A_907 = arith.constant 0.00833333377 : f32
      %add3A_908 = vector.broadcast %add3A_907 : f32 to vector<16xf32>
      %add3A_909 = arith.addf %add3A_908, %mul3A_906 : vector<16xf32>
      %mul3A_910 = arith.mulf %mul3A_895, %add3A_909 : vector<16xf32>
      %add3A_911 = arith.constant -0.166666672 : f32
      %add3A_912 = vector.broadcast %add3A_911 : f32 to vector<16xf32>
      %add3A_913 = arith.addf %add3A_912, %mul3A_910 : vector<16xf32>
      %mul3A_914 = arith.mulf %mul3A_895, %add3A_913 : vector<16xf32>
      %add3A_915 = arith.constant 1.000000e+00 : f32
      %add3A_916 = vector.broadcast %add3A_915 : f32 to vector<16xf32>
      %add3A_917 = arith.addf %add3A_916, %mul3A_914 : vector<16xf32>
      %mul3A_918 = arith.mulf %mul3A_894, %add3A_917 : vector<16xf32>
      %mul3A_919 = arith.mulf %mul3A_918, %mul3A_918 : vector<16xf32>
      %mul3A_920 = arith.constant 6.250000e-02 : f32
      %mul3A_921 = vector.broadcast %mul3A_920 : f32 to vector<16xf32>
      %mul3A_922 = arith.mulf %get3A_858, %mul3A_921 : vector<16xf32>
      %convert_element_type3A_923 = arith.fptosi %mul3A_922 : vector<16xf32> to vector<16xi32>
      %convert_element_type3A_924 = arith.sitofp %convert_element_type3A_923 : vector<16xi32> to vector<16xf32>
      %sub3A_925 = arith.subf %mul3A_922, %convert_element_type3A_924 : vector<16xf32>
      %gt3A_926 = arith.constant 5.000000e-01 : f32
      %gt3A_927 = vector.broadcast %gt3A_926 : f32 to vector<16xf32>
      %gt3A_928 = arith.cmpf ogt, %sub3A_925, %gt3A_927 : vector<16xf32>
      %jit3A_929 = arith.constant 1.000000e+00 : f32
      %jit3A_930 = arith.constant 0.000000e+00 : f32
      %broadcast_in_dim3A_931 = vector.broadcast %jit3A_929 : f32 to vector<16xf32>
      %broadcast_in_dim3A_932 = vector.broadcast %jit3A_930 : f32 to vector<16xf32>
      %select_n3A_933 = arith.select %gt3A_928, %broadcast_in_dim3A_931, %broadcast_in_dim3A_932 : vector<16xi1>, vector<16xf32>
      %sub3A_934 = arith.subf %sub3A_925, %select_n3A_933 : vector<16xf32>
      %lt3A_935 = arith.constant -5.000000e-01 : f32
      %lt3A_936 = vector.broadcast %lt3A_935 : f32 to vector<16xf32>
      %lt3A_937 = arith.cmpf olt, %sub3A_925, %lt3A_936 : vector<16xf32>
      %jit3A_938 = arith.constant 1.000000e+00 : f32
      %jit3A_939 = arith.constant 0.000000e+00 : f32
      %broadcast_in_dim3A_940 = vector.broadcast %jit3A_938 : f32 to vector<16xf32>
      %broadcast_in_dim3A_941 = vector.broadcast %jit3A_939 : f32 to vector<16xf32>
      %select_n3A_942 = arith.select %lt3A_937, %broadcast_in_dim3A_940, %broadcast_in_dim3A_941 : vector<16xi1>, vector<16xf32>
      %add3A_943 = arith.addf %sub3A_934, %select_n3A_942 : vector<16xf32>
      %mul3A_944 = arith.constant 3.14159274 : f32
      %mul3A_945 = vector.broadcast %mul3A_944 : f32 to vector<16xf32>
      %mul3A_946 = arith.mulf %mul3A_945, %add3A_943 : vector<16xf32>
      %mul3A_947 = arith.mulf %mul3A_946, %mul3A_946 : vector<16xf32>
      %mul3A_948 = arith.constant -2.50521079E-8 : f32
      %mul3A_949 = vector.broadcast %mul3A_948 : f32 to vector<16xf32>
      %mul3A_950 = arith.mulf %mul3A_947, %mul3A_949 : vector<16xf32>
      %add3A_951 = arith.constant 2.75573188E-6 : f32
      %add3A_952 = vector.broadcast %add3A_951 : f32 to vector<16xf32>
      %add3A_953 = arith.addf %add3A_952, %mul3A_950 : vector<16xf32>
      %mul3A_954 = arith.mulf %mul3A_947, %add3A_953 : vector<16xf32>
      %add3A_955 = arith.constant -1.98412701E-4 : f32
      %add3A_956 = vector.broadcast %add3A_955 : f32 to vector<16xf32>
      %add3A_957 = arith.addf %add3A_956, %mul3A_954 : vector<16xf32>
      %mul3A_958 = arith.mulf %mul3A_947, %add3A_957 : vector<16xf32>
      %add3A_959 = arith.constant 0.00833333377 : f32
      %add3A_960 = vector.broadcast %add3A_959 : f32 to vector<16xf32>
      %add3A_961 = arith.addf %add3A_960, %mul3A_958 : vector<16xf32>
      %mul3A_962 = arith.mulf %mul3A_947, %add3A_961 : vector<16xf32>
      %add3A_963 = arith.constant -0.166666672 : f32
      %add3A_964 = vector.broadcast %add3A_963 : f32 to vector<16xf32>
      %add3A_965 = arith.addf %add3A_964, %mul3A_962 : vector<16xf32>
      %mul3A_966 = arith.mulf %mul3A_947, %add3A_965 : vector<16xf32>
      %add3A_967 = arith.constant 1.000000e+00 : f32
      %add3A_968 = vector.broadcast %add3A_967 : f32 to vector<16xf32>
      %add3A_969 = arith.addf %add3A_968, %mul3A_966 : vector<16xf32>
      %mul3A_970 = arith.mulf %mul3A_946, %add3A_969 : vector<16xf32>
      %mul3A_971 = arith.mulf %mul3A_970, %mul3A_970 : vector<16xf32>
      %add3A_972 = arith.addf %mul3A_919, %mul3A_971 : vector<16xf32>
      %mul3A_973 = arith.mulf %convert_element_type3A_867, %add3A_972 : vector<16xf32>
      %add3A_974 = arith.addf %add3A_854, %mul3A_973 : vector<16xf32>
      %swap3A = arith.constant 0 : index
      %swap3A_975 = tpu.vector_load %arg8[%swap3A] {strides = array<i32>} : memref<16xf32, #tpu.memory_space<vmem>>, vector<16xf32>,
      tpu.vector_store %arg8[%swap3A], %add3A_974 {strides = array<i32>} : memref<16xf32, #tpu.memory_space<vmem>>, vector<16xf32>,
      %add3A_976 = arith.constant 8 : i32
      %add3A_977 = vector.broadcast %add3A_976 : i32 to vector<16xi32>
      %add3A_978 = arith.addi %iota3A, %add3A_977 : vector<16xi32>
      %and3A_979 = arith.constant 15 : i32
      %and3A_980 = vector.broadcast %and3A_979 : i32 to vector<16xi32>
      %and3A_981 = arith.andi %add3A_978, %and3A_980 : vector<16xi32>
      %gather3A_982 = tpu.vector_load_idx %arg8[%and3A_981] : memref<16xf32, #tpu.memory_space<vmem>>[vector<16xi32>], vector<16xf32>,
      %add3A_983 = arith.addf %add3A_974, %gather3A_982 : vector<16xf32>
      %swap3A_984 = arith.constant 0 : index
      %swap3A_985 = tpu.vector_load %arg8[%swap3A_984] {strides = array<i32>} : memref<16xf32, #tpu.memory_space<vmem>>, vector<16xf32>,
      tpu.vector_store %arg8[%swap3A_984], %add3A_983 {strides = array<i32>} : memref<16xf32, #tpu.memory_space<vmem>>, vector<16xf32>,
      %add3A_986 = arith.constant 4 : i32
      %add3A_987 = vector.broadcast %add3A_986 : i32 to vector<16xi32>
      %add3A_988 = arith.addi %iota3A, %add3A_987 : vector<16xi32>
      %and3A_989 = arith.constant 15 : i32
      %and3A_990 = vector.broadcast %and3A_989 : i32 to vector<16xi32>
      %and3A_991 = arith.andi %add3A_988, %and3A_990 : vector<16xi32>
      %gather3A_992 = tpu.vector_load_idx %arg8[%and3A_991] : memref<16xf32, #tpu.memory_space<vmem>>[vector<16xi32>], vector<16xf32>,
      %add3A_993 = arith.addf %add3A_983, %gather3A_992 : vector<16xf32>
      %swap3A_994 = arith.constant 0 : index
      %swap3A_995 = tpu.vector_load %arg8[%swap3A_994] {strides = array<i32>} : memref<16xf32, #tpu.memory_space<vmem>>, vector<16xf32>,
      tpu.vector_store %arg8[%swap3A_994], %add3A_993 {strides = array<i32>} : memref<16xf32, #tpu.memory_space<vmem>>, vector<16xf32>,
      %add3A_996 = arith.constant 2 : i32
      %add3A_997 = vector.broadcast %add3A_996 : i32 to vector<16xi32>
      %add3A_998 = arith.addi %iota3A, %add3A_997 : vector<16xi32>
      %and3A_999 = arith.constant 15 : i32
      %and3A_1000 = vector.broadcast %and3A_999 : i32 to vector<16xi32>
      %and3A_1001 = arith.andi %add3A_998, %and3A_1000 : vector<16xi32>
      %gather3A_1002 = tpu.vector_load_idx %arg8[%and3A_1001] : memref<16xf32, #tpu.memory_space<vmem>>[vector<16xi32>], vector<16xf32>,
      %add3A_1003 = arith.addf %add3A_993, %gather3A_1002 : vector<16xf32>
      %swap3A_1004 = arith.constant 0 : index
      %swap3A_1005 = tpu.vector_load %arg8[%swap3A_1004] {strides = array<i32>} : memref<16xf32, #tpu.memory_space<vmem>>, vector<16xf32>,
      tpu.vector_store %arg8[%swap3A_1004], %add3A_1003 {strides = array<i32>} : memref<16xf32, #tpu.memory_space<vmem>>, vector<16xf32>,
      %add3A_1006 = arith.constant 1 : i32
      %add3A_1007 = vector.broadcast %add3A_1006 : i32 to vector<16xi32>
      %add3A_1008 = arith.addi %iota3A, %add3A_1007 : vector<16xi32>
      %and3A_1009 = arith.constant 15 : i32
      %and3A_1010 = vector.broadcast %and3A_1009 : i32 to vector<16xi32>
      %and3A_1011 = arith.andi %add3A_1008, %and3A_1010 : vector<16xi32>
      %gather3A_1012 = tpu.vector_load_idx %arg8[%and3A_1011] : memref<16xf32, #tpu.memory_space<vmem>>[vector<16xi32>], vector<16xf32>,
      %add3A_1013 = arith.addf %add3A_1003, %gather3A_1012 : vector<16xf32>
      %swap3A_1014 = arith.constant 0 : index
      %swap3A_1015 = tpu.vector_load %arg8[%swap3A_1014] {strides = array<i32>} : memref<16xf32, #tpu.memory_space<vmem>>, vector<16xf32>,
      tpu.vector_store %arg8[%swap3A_1014], %add3A_1013 {strides = array<i32>} : memref<16xf32, #tpu.memory_space<vmem>>, vector<16xf32>,
      "tpu.region"() ({
        %run_scoped3A = tpu.sem_alloc : memref<!tpu.dma_semaphore, #tpu.memory_space<semaphore_mem>>
        tpu.enqueue_dma source(%arg8 : memref<16xf32, #tpu.memory_space<vmem>>) target(%arg4 : memref<16xf32, #tpu.memory_space<hbm>>) target_semaphore(%run_scoped3A : memref<!tpu.dma_semaphore, #tpu.memory_space<semaphore_mem>>)
        tpu.wait_dma2 semaphore(%run_scoped3A : memref<!tpu.dma_semaphore, #tpu.memory_space<semaphore_mem>>) src(%arg8 : memref<16xf32, #tpu.memory_space<vmem>>) dst(%arg4 : memref<16xf32, #tpu.memory_space<hbm>>)
        tpu.yield
      }) : () -> ()
    } else {
    }
    return
  }
}

</mosaic_0001>

<sc_bundles>
// kernel: kernel.3.cloned.1.call-start
scs
__scs_entry_jumppad:
0x0: {  	(pc) =	sbr.rel $0x88, $3  }
0x1: {  	(tag) =	ssettag $0x0;
	lr =	simm.s32 $0x1  }
0x2: {  	[smem:$0x3F9F] =	sst lr;
	_ =	strace $0xD0000000  }
0x3: {  	_ = 	snop  }
0x4: {  	_ = 	snop  }
0x5: {  	_ = 	snop  }
0x6: {  	_ = 	snop  }
0x7: {  	_ = 	snop  }
__scs_overlays_trampoline_lowered:
0x8: {  	[smem:$0x3FAE] =	sst s0  }
0x9: {  	[smem:$0x3FAF] =	sst s1  }
0xa: {  	[smem:$0x3FB0] =	sst s2  }
0xb: {  	[smem:$0x3FB1] =	sst s3  }
0xc: {  	[smem:$0x3FB2] =	sst s4  }
0xd: {  	[smem:$0x3FB3] =	sst s5  }
0xe: {  	[smem:$0x3FB4] =	sst s6  }
0xf: {  	[smem:$0x3FB5] =	sst s7  }
0x10: {  	[smem:$0x3FB6] =	sst s8  }
0x11: {  	[smem:$0x3FB7] =	sst s9;
	s0 =	simm.s32 @!p0 $0x0  }
0x12: {  	s1 =	sld [smem:$0x3F9D];
	s0 =	simm.s32 @p0 $0x1  }
0x13: {  	[smem:$0x3FB8] =	sst s0;
	s0 =	simm.s32 @!p1 $0x0  }
0x14: {  	s2 =	sld [smem:$0x3F9C];
	s0 =	simm.s32 @p1 $0x1  }
0x15: {  	[smem:$0x3FB9] =	sst s0;
	s0 =	simm.s32 @!p2 $0x0  }
0x16: {  	s3 =	sld [smem:$0x3FDB];
	s0 =	simm.s32 @p2 $0x1  }
0x17: {  	s4 =	simm.s32 $0x1BF5;
	[smem:$0x3FBB] =	sst s0  }
0x18: {  	s0 =	sld [smem:$0x3F9E];
	_ =	swait.ge [sflag:s4], $0x0  }
0x19: {  	s7 =	sld [smem:$0x3F9F]  }
0x1a: {  	s8 =	sadd.s32 $0xFFFFE003, lr  }
0x1b: {  	s9 =	sadd.s32 $0xFFFFFEF7, lr;
	s5 =	simm.s32 $0xFFFFFFFF;
	p2 =	slt.u32 s8, $0xFFFFF086  }
0x1c: {  	p1 =	slt.u32 s9, $0xF7A;
	s5 =	simm.s32 @!p2 $0x0  }
0x1d: {  	s5 =	simm.s32 @p1 $0x1;
	p0 =	seq.s32 s7, s2  }
0x1e: {  	s7 =	smul.u32 @!p0 $0xF7A, s2;
	p2 =	seq.s32 @!p0 s5, $0x0  }
0x1f: {  	s9 =	smul.u32 $0xF7A, s1;
	s8 =	simm.s32 @!p0 $0x1BF5;
	p2 =	por !p2, p0  }
0x20: {  	[sflag:s8] =	ssyncset.s32 @!p0 $0xFFFFF086;
	s6 =	sadd.s32 @!p0 s3, s7;
	s7 =	simm.s32 @!p0 $0x108  }
0x21: {  	s3 =	sadd.s32 s3, s9;
	s6 =	sadd.s32 @!p0 $0x88, s6;
	s7 =	simm.s32 @p2 $0x1082  }
0x22: {  	[simem:s7], [sflag:s8] =	dma.local @!p0 [hbm:s6], $0xF7A  }
0x23: {  	s9 =	sor.u32 $0xD0000000, s2;
	s6 =	simm.s32 $0x108;
	_ =	swait.ge @!p0 [sflag:s8], $0x0  }
0x24: {  	s3 =	sadd.s32 $0x88, s3;
	s6 =	simm.s32 @!p1 $0x1082;
	[sflag:s4] =	ssyncset.s32 $0xFFFFF086  }
0x25: {  	[simem:s6], [sflag:s4] =	dma.local [hbm:s3], $0xF7A  }
0x26: {  	[smem:$0x3F9F] =	sst s1;
	(tag) =	ssettag s2;
	_ =	strace s9  }
0x27: {  	s1 =	sld [smem:$0x3FAF]  }
0x28: {  	s2 =	sld [smem:$0x3FB0]  }
0x29: {  	s4 =	sld [smem:$0x3FB2]  }
0x2a: {  	p0 =	seq.s32 s5, $0x0;
	s5 =	sld [smem:$0x3FB3]  }
0x2b: {  	s6 =	sld [smem:$0x3FB4]  }
0x2c: {  	s7 =	sld [smem:$0x3FB5]  }
0x2d: {  	s3 =	simm.s32 $0x108;
	s8 =	sld [smem:$0x3FB6]  }
0x2e: {  	s3 =	simm.s32 @!p0 $0x1082;
	s9 =	sld [smem:$0x3FB7]  }
0x2f: {  	lr =	sadd.s32 s0, s3;
	s0 =	sld [smem:$0x3FAE]  }
0x30: {  	s3 =	sld [smem:$0x3FB1]  }
0x31: {  	[smem:$0x3FBA] =	sst s10  }
0x32: {  	s10 =	sld [smem:$0x3FB8];
	_ =	sdelay $0x3  }
0x33: {  	p0 =	seq.s32 s10, $0x1;
	s10 =	sld [smem:$0x3FBA];
	_ =	sdelay $0x3  }
0x34: {  	[smem:$0x3FBA] =	sst s10  }
0x35: {  	s10 =	sld [smem:$0x3FB9];
	_ =	sdelay $0x3  }
0x36: {  	p1 =	seq.s32 s10, $0x1;
	s10 =	sld [smem:$0x3FBA];
	_ =	sdelay $0x3  }
0x37: {  	[smem:$0x3FBA] =	sst s10  }
0x38: {  	s10 =	sld [smem:$0x3FBB]  }
0x39: {  	_ = 	snop;
	(pc) =	sbr.ind lr, $3  }
0x3a: {  	_ = 	snop  }
0x3b: {  	_ = 	snop  }
0x3c: {  	p2 =	seq.s32 s10, $0x1;
	s10 =	sld [smem:$0x3FBA]  }
0x3d: {  	_ =	shalt  }
0x3e: {  	_ =	shalt  }
0x3f: {  	_ =	shalt  }
0x40: {  	_ =	shalt  }
0x41: {  	_ =	shalt  }
0x42: {  	_ =	shalt  }
0x43: {  	_ =	shalt  }
0x44: {  	_ =	shalt  }
0x45: {  	_ =	shalt  }
0x46: {  	_ =	shalt  }
0x47: {  	_ =	shalt  }
0x48: {  	_ =	shalt  }
0x49: {  	_ =	shalt  }
0x4a: {  	_ =	shalt  }
0x4b: {  	_ =	shalt  }
0x4c: {  	_ =	shalt  }
0x4d: {  	_ =	shalt  }
0x4e: {  	_ =	shalt  }
0x4f: {  	_ =	shalt  }
0x50: {  	_ =	shalt  }
0x51: {  	_ =	shalt  }
0x52: {  	_ =	shalt  }
0x53: {  	_ =	shalt  }
0x54: {  	_ =	shalt  }
0x55: {  	_ =	shalt  }
0x56: {  	_ =	shalt  }
0x57: {  	_ =	shalt  }
0x58: {  	_ =	shalt  }
0x59: {  	_ =	shalt  }
0x5a: {  	_ =	shalt  }
0x5b: {  	_ =	shalt  }
0x5c: {  	_ =	shalt  }
0x5d: {  	_ =	shalt  }
0x5e: {  	_ =	shalt  }
0x5f: {  	_ =	shalt  }
0x60: {  	_ =	shalt  }
0x61: {  	_ =	shalt  }
0x62: {  	_ =	shalt  }
0x63: {  	_ =	shalt  }
0x64: {  	_ =	shalt  }
0x65: {  	_ =	shalt  }
0x66: {  	_ =	shalt  }
0x67: {  	_ =	shalt  }
0x68: {  	_ =	shalt  }
0x69: {  	_ =	shalt  }
0x6a: {  	_ =	shalt  }
0x6b: {  	_ =	shalt  }
0x6c: {  	_ =	shalt  }
0x6d: {  	_ =	shalt  }
0x6e: {  	_ =	shalt  }
0x6f: {  	_ =	shalt  }
0x70: {  	_ =	shalt  }
0x71: {  	_ =	shalt  }
0x72: {  	_ =	shalt  }
0x73: {  	_ =	shalt  }
0x74: {  	_ =	shalt  }
0x75: {  	_ =	shalt  }
0x76: {  	_ =	shalt  }
0x77: {  	_ =	shalt  }
0x78: {  	_ =	shalt  }
0x79: {  	_ =	shalt  }
0x7a: {  	_ =	shalt  }
0x7b: {  	_ =	shalt  }
0x7c: {  	_ =	shalt  }
0x7d: {  	_ =	shalt  }
0x7e: {  	_ =	shalt  }
0x7f: {  	_ =	shalt  }
0x80: {  	_ =	shalt  }
0x81: {  	_ =	shalt  }
0x82: {  	_ =	shalt  }
0x83: {  	_ =	shalt  }
0x84: {  	_ =	shalt  }
0x85: {  	_ =	shalt  }
0x86: {  	_ =	shalt  }
0x87: {  	_ =	shalt  }
.Lfunc_end0:
.L_simem_size_0:
called_computation_lowered:
.L_overlay_start_0:
0x88: {  	s0 =	sld [smem:$0x3FD9]  }
0x89: {  	s1 =	sld [smem:$0x3FFE];
	_ =	sdelay $0x3  }
0x8a: {  	s0 =	sadd.s32 s1, s0  }
0x8b: {  	[smem:$0x3FC6] =	sst s0  }
0x8c: {  	_ = 	snop  }
0x8d: {  	s0 =	sld [smem:$0x3FC9]  }
0x8e: {  	s16 =	sld [smem:$0x3FD0];
	(tm) =	ssettm $0x1  }
0x8f: {  	s2 =	sld [smem:$0x3FFB];
	_ =	sdelay $0x3  }
0x90: {  	_ =	strace s2  }
0x91: {  	s2 =	sld [smem:$0x3FFC];
	_ =	sdelay $0x3  }
0x92: {  	_ =	strace s2  }
0x93: {  	s2 =	sld [smem:$0x3FFD];
	_ =	sdelay $0x3  }
0x94: {  	_ =	strace s2  }
0x95: {  	_ =	strace $0x8FFFFFFF  }
0x96: {  	s17 =	sld [smem:$0x3FDB];
	_ =	sdelay $0x1  }
0x97: {  	s3 =	simm.s32 $_scs_section_size  }
0x98: {  	s4 =	simm.s32 $_size__tile_overlayer_lowered;
	s5 =	simm.s32 $_tile_overlayer_lowered  }
0x99: {  	s20 =	simm.s32 $0x1BFF;
	s19 =	sshll.u32 s5, $0x1;
	s2 =	sadd.s32 s3, s17  }
0x9a: {  	s6 =	simm.s32 $0x0;
	s18 =	sshll.u32 s4, $0x1;
	s4 =	sadd.s32 s19, s2  }
0x9b: {  	[timem:s6], [sflag:s20] =	dma.local [hbm:s4], s18  }
0x9c: {  	_ =	swait.ge [sflag:s20], s18  }
0x9d: {  	s3 =	ssub.s32 $0x0, s18;
	[sflag:s20] =	ssyncset.done $0x0  }
0x9e: {  	[sflag:s20] =	ssyncadd.s32 s3;
	_ =	sdelay $0x1  }
0x9f: {  	s21 =	simm.s32 $0x1B8B  }
0xa0: {  	_ =	swait.ge [sflag:s21], $0x1  }
0xa1: {  	[sflag:s21] =	ssyncset.done $0x0  }
0xa2: {  	s23 =	simm.s32 $0x1B8E;
	s22 =	sld [smem:$0x3FFE];
	[sflag:s21] =	ssyncadd.s32 $0xFFFFFFFF  }
0xa3: {  	s24 =	simm.s32 $execute0_lowered;
	[smem:$0x3FD2] =	sst s23  }
0xa4: {  	s4 =	sshll.u32 s24, $0x1;
	_ =	strace $0x80000046;
	[dreg:$0x1] =	wrdreg $0xFFFFFFFF  }
0xa5: {  	s25 =	simm.s32 $_size_execute0_lowered;
	s2 =	sadd.s32 s2, s4;
	[dreg:$0x0] =	wrdreg $0x0  }
0xa6: {  	s4 =	sshll.u32 s25, $0x1;
	[dreg:$0x2] =	wrdreg s2  }
0xa7: {  	[dreg:$0x3] =	wrdreg s4  }
0xa8: {  	[dreg:$0x4] =	wrdreg $0xC0  }
0xa9: {  	_ =	task [dreg:s6], $0x5FFFF  }
0xaa: {  	[dreg:$0x1] =	wrdreg $0xFFFFFFFF  }
0xab: {  	[dreg:$0x0] =	wrdreg $0x60  }
0xac: {  	[dreg:$0x2] =	wrdreg s0  }
0xad: {  	[dreg:$0x3] =	wrdreg s22  }
0xae: {  	[dreg:$0x4] =	wrdreg s16  }
0xaf: {  	[dreg:$0x5] =	wrdreg $0x9  }
0xb0: {  	_ =	task.clear_ibuf [dreg:s6], $0x6FFFF;
	_ =	strace $0x90000046  }
0xb1: {  	s26 =	simm.s32 $0x9;
	_ =	strace $0x80000048  }
0xb2: {  	_ =	swait.ge [sflag:s26], $0x1  }
0xb3: {  	[sflag:s26] =	ssyncadd.s32 $0xFFFFFFFF  }
0xb4: {  	_ =	strace $0x90000048  }
0xb5: {  	_ =	sfence  }
0xb6: {  	s28 =	sld [smem:$0x0];
	_ =	sdelay $0x1  }
0xb7: {  	s29 =	srdreg.scid  }
0xb8: {  	s30 =	sshll.u32 s29, $0xD;
	s31 =	sshrl.u32 s29, $0x2  }
0xb9: {  	s1 =	sand.u32 $0x1, s29;
	s2 =	sand.u32 $0x4000, s30;
	s0 =	sadd.s32 s31, s28  }
0xba: {  	s1 =	sor.u32 s2, s1;
	s0 =	sshll.u32 s0, $0x11  }
0xbb: {  	s0 =	sor.u32 s0, s1  }
0xbc: {  	s0 =	sadd.s32 $0x8F2B, s0  }
0xbd: {  	[sflag:s0] =	ssyncadd.remote.s32 $0x1  }
0xbe: {  	_ =	sfence.sel $0xFFFF  }
0xbf: {  	[dreg:$0x0] =	wrdreg $0xFFFFFFFF;
	(pc) =	sbr.abs _section_cstart, $3  }
0xc0: {  	[dreg:$0x1] =	wrdreg $0xFFFFFFFF  }
0xc1: {  	_ =	task.clear_ibuf [dreg:s6], $0x2FFFF;
	_ =	strace $0x9FFFFFFF  }
0xc2: {  	(tm) =	ssettm $0x7FFFFFFF  }
0xc3: {  	_ =	shalt  }
tec
execute0_lowered:
.L_overlay_start_1:
0x0: {  	(tag) =	ssettag $0x1  }
0x1: {  	s5 =	stileid.u32  }
0x2: {  	p0 =	sne.s32 s5, $0x0  }
.Ltmp0:
0x3: {  	s3 =	rddreg [dreg:$0x0];
	(pc) =	sbr.rel @p0 .LBB2_2-.Ltmp0, $4  }
0x4: {  	s4 =	rddreg [dreg:$0x1]  }
0x5: {  	s1 =	rddreg [dreg:$0x2];
	s2 =	simm.s32 $0x0  }
0x6: {  	[smem:$0x7FF] =	sst s2  }
0x7: {  	s0 =	rddreg [dreg:$0x3];
	_ =	strace $0x80000047  }
0x8: {  	[tilespmem:s2], [sflag:$0x1] =	stream.linear.gather [hbm4b:s3+s2], $0x80, $0x38;
	[tilespmem:$0x200] =	vst v63  }
0x9: {  	s24 =	sadd.s32 $0x1E848, s3;
	s5 =	simm.s32 $0x80  }
0xa: {  	[tilespmem:s5], [sflag:$0x2] =	stream.linear.gather [hbm4b:s24+s2], $0x80, $0x38;
	[tilespmem:$0x200] =	vst v63  }
0xb: {  	s25 =	simm.s32 $0x100;
	s26 =	simm.s32 $0x1  }
0xc: {  	[tilespmem:s25], [sflag:$0x3] =	stream.linear.gather [hbm4b:s4+s2], $0x80, $0x38;
	[tilespmem:$0x200] =	vst v63  }
0xd: {  	_ =	swait.ge [sflag:s26], $0x80  }
0xe: {  	[sflag:s26] =	ssyncset.done $0x0  }
0xf: {  	s28 =	simm.s32 $0x2;
	[sflag:s26] =	ssyncadd.s32 $0xFFFFFF80  }
0x10: {  	_ =	swait.ge [sflag:s28], $0x80  }
0x11: {  	[sflag:s28] =	ssyncset.done $0x0  }
0x12: {  	s29 =	simm.s32 $0x3;
	[sflag:s28] =	ssyncadd.s32 $0xFFFFFF80  }
0x13: {  	_ =	swait.ge [sflag:s29], $0x80  }
0x14: {  	[sflag:s29] =	ssyncset.done $0x0  }
0x15: {  	[sflag:s29] =	ssyncadd.s32 $0xFFFFFF80  }
0x16: {  	v0 =	vld [tilespmem:$0x0];
	_ =	sdelay $0x1  }
0x17: {  	v1 =	vld [tilespmem:$0x80];
	_ =	sdelay $0x2  }
0x18: {  	v0 =	vmul.f32 $6.250000000e-02, v0;
	_ =	sdelay $0x1  }
0x19: {  	v1 =	vmul.f32 $6.250000000e-02, v1;
	v2 =	vtrunc.f32 v0  }
0x1a: {  	v2 =	vcvt.f32.s32 v2  }
0x1b: {  	v3 =	vtrunc.f32 v1  }
0x1c: {  	v3 =	vcvt.f32.s32 v3;
	v2 =	vcvt.s32.f32 v2  }
0x1d: {  	v4 =	vld [tilespmem:$0x10]  }
0x1e: {  	v12 =	vld [tilespmem:$0x20];
	v3 =	vcvt.s32.f32 v3;
	v0 =	vsub.f32 v0, v2  }
0x1f: {  	v6 =	vlaneseq.u32;
	v63 =	vld [tilespmem:$0xB0];
	v2 =	vimm.f32 $0.0e+00  }
0x20: {  	v3 =	vsub.f32 v1, v3;
	v1 =	vshrl.u32 v6, $0x2;
	vm0 =	vgt.f32 v0, $5.000000000e-01  }
0x21: {  	v36 =	vand.u32 $0x3, v6;
	v5 =	vsel vm0, $0x3F800000, v2  }
0x22: {  	v4 =	vmul.f32 $6.250000000e-02, v4;
	vm9 =	vlt.f32 v0, $-5.000000000e-01;
	v5 =	vsub.f32 v0, v5  }
0x23: {  	v32 =	vld [tilespmem:$0x90];
	v12 =	vmul.f32 $6.250000000e-02, v12;
	vm10 =	vgt.f32 v3, $5.000000000e-01;
	v0 =	vsel vm9, $0x3F800000, v2  }
0x24: {  	v25 =	vmul.f32 $6.250000000e-02, v63;
	v31 =	vsel vm10, $0x3F800000, v2;
	v0 =	vadd.f32 v5, v0  }
0x25: {  	v34 =	vtrunc.f32 v4;
	vm11 =	vlt.f32 v3, $-5.000000000e-01;
	v35 =	vld.idx.msk [tilespmem:v1+s25+$0x0], $0xffff;
	v5 =	vsub.f32 v3, v31  }
0x26: {  	v42 =	vtrunc.f32 v12;
	v7 =	vsel vm11, $0x3F800000, v2;
	v8 =	vmul.f32 $3.141592740e+00, v0  }
0x27: {  	v27 =	vtrunc.f32 v25;
	v33 =	vadd.f32 v5, v7;
	v5 =	vcvt.f32.s32 v34  }
0x28: {  	v3 =	vmul.f32 $6.250000000e-02, v32;
	v0 =	vmul.u32 $0x8, v36;
	v9 =	vmul.f32 v8, v8  }
0x29: {  	v10 =	vmul.f32 $3.141592740e+00, v33;
	v5 =	vcvt.s32.f32 v5  }
0x2a: {  	v58 =	vor.u32 $0x4, v1;
	v38 =	vtrunc.f32 v3;
	v7 =	vshrl.u32 v35, v0  }
0x2b: {  	v37 =	vmul.f32 $2.505210790e-08, v9;
	v11 =	vmul.f32 v10, v10;
	v4 =	vsub.f32 v4, v5  }
0x2c: {  	v29 =	vor.u32 $0x8, v1;
	v7 =	vand.u32 $0x1, v7;
	v5 =	vcvt.f32.s32 v38  }
0x2d: {  	v6 =	vsub.f32 $2.755731880e-06, v37;
	v13 =	vmul.f32 $2.505210790e-08, v11;
	vm12 =	vgt.f32 v4, $5.000000000e-01  }
0x2e: {  	v41 =	vld [tilespmem:$0xA0];
	v5 =	vcvt.s32.f32 v5;
	vm13 =	vlt.f32 v4, $-5.000000000e-01;
	v14 =	vsel vm12, $0x3F800000, v2  }
0x2f: {  	v6 =	vmul.f32 v6, v9;
	v13 =	vsub.f32 $2.755731880e-06, v13;
	v14 =	vsub.f32 v4, v14  }
0x30: {  	v39 =	vcvt.s32.f32 v7;
	v4 =	vsel vm13, $0x3F800000, v2;
	v5 =	vsub.f32 v3, v5  }
0x31: {  	v6 =	vadd.f32 $-1.984127010e-04, v6;
	v4 =	vadd.f32 v14, v4;
	v40 =	vmul.f32 v13, v11  }
0x32: {  	vm14 =	vgt.f32 v5, $5.000000000e-01;
	v14 =	vcvt.f32.s32 v42;
	vm15 =	vlt.f32 v5, $-5.000000000e-01  }
0x33: {  	v13 =	vmul.f32 $6.250000000e-02, v41;
	v15 =	vsel vm14, $0x3F800000, v2;
	v4 =	vmul.f32 $3.141592740e+00, v4  }
0x34: {  	v7 =	vadd.f32 $-1.984127010e-04, v40;
	v15 =	vsub.f32 v5, v15;
	v14 =	vcvt.s32.f32 v14  }
0x35: {  	v16 =	vsel vm15, $0x3F800000, v2;
	v6 =	vmul.f32 v6, v9;
	v47 =	vtrunc.f32 v13  }
0x36: {  	v43 =	vmul.f32 v4, v4;
	v7 =	vmul.f32 v7, v11;
	v15 =	vadd.f32 v15, v16  }
0x37: {  	v12 =	vsub.f32 v12, v14;
	v6 =	vadd.f32 $8.333333770e-03, v6;
	v16 =	vcvt.f32.s32 v47  }
0x38: {  	v14 =	vcvt.f32.s32 v27;
	v47 =	vor.u32 $0xC, v1;
	v44 =	vmul.f32 $2.505210790e-08, v43  }
0x39: {  	v7 =	vadd.f32 $8.333333770e-03, v7;
	v45 =	vmul.f32 $3.141592740e+00, v15;
	vm4 =	vgt.f32 v12, $5.000000000e-01  }
0x3a: {  	vm5 =	vlt.f32 v12, $-5.000000000e-01;
	v16 =	vcvt.s32.f32 v16;
	v6 =	vmul.f32 v6, v9  }
0x3b: {  	v14 =	vcvt.s32.f32 v14;
	v18 =	vsel vm4, $0x3F800000, v2;
	v19 =	vsel vm5, $0x3F800000, v2  }
0x3c: {  	v46 =	vsub.f32 $2.755731880e-06, v44;
	v17 =	vmul.f32 v45, v45;
	v18 =	vsub.f32 v12, v18  }
0x3d: {  	v61 =	vld [tilespmem:$0x30];
	v7 =	vmul.f32 v7, v11;
	v13 =	vsub.f32 v13, v16;
	v6 =	vadd.f32 $-1.666666720e-01, v6  }
0x3e: {  	v15 =	vmul.f32 v46, v43;
	v48 =	vmul.f32 $2.505210790e-08, v17;
	v18 =	vadd.f32 v18, v19  }
0x3f: {  	v7 =	vadd.f32 $-1.666666720e-01, v7;
	vm6 =	vgt.f32 v13, $5.000000000e-01;
	vm7 =	vlt.f32 v13, $-5.000000000e-01  }
0x40: {  	v6 =	vmul.f32 v6, v9;
	v50 =	vsel vm6, $0x3F800000, v2;
	v20 =	vsel vm7, $0x3F800000, v2  }
0x41: {  	v15 =	vadd.f32 $-1.984127010e-04, v15;
	v12 =	vsub.f32 $2.755731880e-06, v48;
	v49 =	vmul.f32 $3.141592740e+00, v18  }
0x42: {  	v24 =	vld.idx.msk [tilespmem:v58+s25+$0x0], $0xffff;
	v19 =	vsub.f32 v13, v50;
	v7 =	vmul.f32 v7, v11;
	v11 =	vmul.f32 $6.250000000e-02, v61  }
0x43: {  	v6 =	vadd.f32 $1.000000000e+00, v6;
	v15 =	vmul.f32 v15, v43;
	v12 =	vmul.f32 v12, v17  }
0x44: {  	v18 =	vmul.f32 v49, v49;
	v54 =	vadd.f32 v19, v20;
	v26 =	vtrunc.f32 v11  }
0x45: {  	v7 =	vadd.f32 $1.000000000e+00, v7;
	v6 =	vmul.f32 v6, v8;
	v13 =	vcvt.f32.s32 v26  }
0x46: {  	v15 =	vadd.f32 $8.333333770e-03, v15;
	v12 =	vadd.f32 $-1.984127010e-04, v12;
	v52 =	vmul.f32 $2.505210790e-08, v18  }
0x47: {  	v7 =	vmul.f32 v7, v10;
	v6 =	vmul.f32 v6, v6;
	v10 =	vshrl.u32 v24, v0  }
0x48: {  	v10 =	vand.u32 $0x1, v10;
	v53 =	vmul.f32 v12, v17;
	v12 =	vmul.f32 $3.141592740e+00, v54  }
0x49: {  	v13 =	vcvt.s32.f32 v13;
	v51 =	vmul.f32 v15, v43;
	v56 =	vsub.f32 $2.755731880e-06, v52  }
0x4a: {  	v7 =	vmul.f32 v7, v7;
	v9 =	vadd.f32 $8.333333770e-03, v53;
	v59 =	vmul.f32 v12, v12  }
0x4b: {  	v11 =	vsub.f32 v11, v13;
	v55 =	vadd.f32 $-1.666666720e-01, v51;
	v57 =	vmul.f32 v56, v18  }
0x4c: {  	v6 =	vadd.f32 v7, v6;
	v9 =	vmul.f32 v9, v17;
	v62 =	vmul.f32 $2.505210790e-08, v59  }
0x4d: {  	v7 =	vsub.f32 v25, v14;
	v5 =	vmul.f32 v55, v43;
	v60 =	vadd.f32 $-1.984127010e-04, v57  }
0x4e: {  	v10 =	vcvt.s32.f32 v10;
	v9 =	vadd.f32 $-1.666666720e-01, v9;
	v23 =	vsub.f32 $2.755731880e-06, v62  }
0x4f: {  	vm8 =	vgt.f32 v11, $5.000000000e-01;
	v5 =	vadd.f32 $1.000000000e+00, v5;
	v21 =	vmul.f32 v60, v18  }
0x50: {  	vm10 =	vlt.f32 v11, $-5.000000000e-01;
	v43 =	vld [tilespmem:$0xC0];
	v22 =	vmul.f32 v9, v17;
	v9 =	vmul.f32 v23, v59  }
0x51: {  	vm9 =	vgt.f32 v7, $5.000000000e-01;
	v4 =	vmul.f32 v5, v4;
	v5 =	vadd.f32 $8.333333770e-03, v21  }
0x52: {  	v15 =	vld.idx.msk [tilespmem:v47+s25+$0x0], $0xffff;
	v31 =	vsel vm8, $0x3F800000, v2;
	v32 =	vsel vm9, $0x3F800000, v2;
	v9 =	vadd.f32 $-1.984127010e-04, v9  }
0x53: {  	vm11 =	vlt.f32 v7, $-5.000000000e-01;
	v14 =	vsub.f32 v7, v32;
	v5 =	vmul.f32 v5, v18  }
0x54: {  	v37 =	vsel vm11, $0x3F800000, v2;
	v8 =	vadd.f32 $1.000000000e+00, v22;
	v9 =	vmul.f32 v9, v59  }
0x55: {  	v38 =	vadd.f32 v14, v37;
	v50 =	vmul.f32 $6.250000000e-02, v43;
	v5 =	vadd.f32 $-1.666666720e-01, v5  }
0x56: {  	v33 =	vld [tilespmem:$0x40];
	v4 =	vmul.f32 v4, v4;
	v8 =	vmul.f32 v8, v45;
	v9 =	vadd.f32 $8.333333770e-03, v9  }
0x57: {  	v15 =	vshrl.u32 v15, v0;
	v42 =	vmul.f32 $3.141592740e+00, v38;
	v5 =	vmul.f32 v5, v18  }
0x58: {  	v15 =	vand.u32 $0x1, v15;
	v8 =	vmul.f32 v8, v8;
	v28 =	vmul.f32 v9, v59  }
0x59: {  	v15 =	vcvt.s32.f32 v15;
	v55 =	vtrunc.f32 v50;
	v5 =	vadd.f32 $1.000000000e+00, v5  }
0x5a: {  	v45 =	vmul.f32 v42, v42;
	v8 =	vadd.f32 v8, v4;
	v4 =	vadd.f32 $-1.666666720e-01, v28  }
0x5b: {  	v30 =	vmul.f32 v5, v49;
	v5 =	vsub.f32 v11, v31;
	v11 =	vmul.f32 $6.250000000e-02, v33  }
0x5c: {  	v34 =	vsel vm10, $0x3F800000, v2;
	v49 =	vmul.f32 $2.505210790e-08, v45;
	v35 =	vmul.f32 v4, v59  }
0x5d: {  	v36 =	vadd.f32 v5, v34;
	v4 =	vmul.f32 v39, v6;
	v39 =	vld.idx.msk [tilespmem:v29+s25+$0x0], $0xffff;
	v46 =	vtrunc.f32 v11  }
0x5e: {  	v5 =	vmul.f32 v10, v8;
	v54 =	vsub.f32 $2.755731880e-06, v49;
	v14 =	vcvt.f32.s32 v46  }
0x5f: {  	v40 =	vmul.f32 v30, v30;
	v7 =	vadd.f32 $1.000000000e+00, v35;
	v41 =	vmul.f32 $3.141592740e+00, v36  }
0x60: {  	v56 =	vmul.f32 v54, v45;
	v14 =	vcvt.s32.f32 v14  }
0x61: {  	v7 =	vmul.f32 v7, v12;
	v44 =	vmul.f32 v41, v41  }
0x62: {  	v58 =	vld [tilespmem:$0x50];
	v6 =	vshrl.u32 v39, v0;
	v11 =	vsub.f32 v11, v14;
	v14 =	vcvt.f32.s32 v55  }
0x63: {  	v7 =	vmul.f32 v7, v7;
	v48 =	vmul.f32 $2.505210790e-08, v44;
	v6 =	vand.u32 $0x1, v6  }
0x64: {  	v51 =	vcvt.s32.f32 v6;
	vm12 =	vgt.f32 v11, $5.000000000e-01;
	v14 =	vcvt.s32.f32 v14  }
0x65: {  	v6 =	vadd.f32 $-1.984127010e-04, v56;
	v52 =	vadd.f32 v7, v40;
	v57 =	vsel vm12, $0x3F800000, v2  }
0x66: {  	vm13 =	vlt.f32 v11, $-5.000000000e-01;
	v53 =	vsub.f32 $2.755731880e-06, v48;
	v8 =	vsub.f32 v11, v57  }
0x67: {  	v61 =	vld [tilespmem:$0xD0];
	v14 =	vsub.f32 v50, v14;
	v6 =	vmul.f32 v6, v45;
	v11 =	vmul.f32 $6.250000000e-02, v58  }
0x68: {  	v59 =	vsel vm13, $0x3F800000, v2;
	v40 =	vld [tilespmem:$0xE0];
	v7 =	vmul.f32 v53, v44;
	v3 =	vmul.f32 v51, v52  }
0x69: {  	v50 =	vld [tilespmem:$0x70];
	v8 =	vadd.f32 v8, v59;
	vm14 =	vgt.f32 v14, $5.000000000e-01;
	v6 =	vadd.f32 $8.333333770e-03, v6  }
0x6a: {  	vm15 =	vlt.f32 v14, $-5.000000000e-01;
	v22 =	vtrunc.f32 v11;
	v7 =	vadd.f32 $-1.984127010e-04, v7  }
0x6b: {  	v60 =	vsel vm14, $0x3F800000, v2;
	v17 =	vcvt.f32.s32 v22;
	v8 =	vmul.f32 $3.141592740e+00, v8  }
0x6c: {  	v16 =	vsub.f32 v14, v60;
	v6 =	vmul.f32 v6, v45;
	v14 =	vmul.f32 $6.250000000e-02, v61  }
0x6d: {  	v4 =	vadd.f32 v5, v4;
	v47 =	vmul.f32 $6.250000000e-02, v40;
	v7 =	vmul.f32 v7, v44  }
0x6e: {  	v62 =	vsel vm15, $0x3F800000, v2;
	v17 =	vcvt.s32.f32 v17;
	v53 =	vmul.f32 $6.250000000e-02, v50  }
0x6f: {  	v63 =	vmul.f32 v8, v8;
	v16 =	vadd.f32 v16, v62;
	v6 =	vadd.f32 $-1.666666720e-01, v6  }
0x70: {  	v26 =	vtrunc.f32 v14;
	v49 =	vtrunc.f32 v47;
	v7 =	vadd.f32 $8.333333770e-03, v7  }
0x71: {  	v35 =	vld [tilespmem:$0x60];
	v11 =	vsub.f32 v11, v17;
	v17 =	vcvt.f32.s32 v26;
	v23 =	vmul.f32 $2.505210790e-08, v63  }
0x72: {  	v3 =	vadd.f32 v3, v4;
	v16 =	vmul.f32 $3.141592740e+00, v16;
	v6 =	vmul.f32 v6, v45  }
0x73: {  	v7 =	vmul.f32 v7, v44;
	vm4 =	vgt.f32 v11, $5.000000000e-01;
	v17 =	vcvt.s32.f32 v17  }
0x74: {  	vm5 =	vlt.f32 v11, $-5.000000000e-01;
	v24 =	vsub.f32 $2.755731880e-06, v23;
	v25 =	vmul.f32 v16, v16  }
0x75: {  	v6 =	vadd.f32 $1.000000000e+00, v6;
	v28 =	vsel vm4, $0x3F800000, v2;
	v30 =	vsel vm5, $0x3F800000, v2  }
0x76: {  	v7 =	vadd.f32 $-1.666666720e-01, v7;
	v14 =	vsub.f32 v14, v17;
	v17 =	vmul.f32 $6.250000000e-02, v35  }
0x77: {  	v20 =	vsub.f32 v11, v28;
	v12 =	vmul.f32 v24, v63;
	v27 =	vmul.f32 $2.505210790e-08, v25  }
0x78: {  	v28 =	vor.u32 $0x14, v1;
	v6 =	vmul.f32 v6, v42;
	v7 =	vmul.f32 v7, v44  }
0x79: {  	vm6 =	vgt.f32 v14, $5.000000000e-01;
	v12 =	vadd.f32 $-1.984127010e-04, v12;
	v19 =	vsub.f32 $2.755731880e-06, v27  }
0x7a: {  	vm7 =	vlt.f32 v14, $-5.000000000e-01;
	v42 =	vtrunc.f32 v17;
	v34 =	vsel vm6, $0x3F800000, v2  }
0x7b: {  	v7 =	vadd.f32 $1.000000000e+00, v7;
	v29 =	vmul.f32 v12, v63;
	v31 =	vmul.f32 v19, v25  }
0x7c: {  	v6 =	vmul.f32 v6, v6;
	v12 =	vadd.f32 v20, v30;
	v20 =	vcvt.f32.s32 v42  }
0x7d: {  	v7 =	vmul.f32 v7, v41;
	v32 =	vadd.f32 $8.333333770e-03, v29;
	v9 =	vadd.f32 $-1.984127010e-04, v31  }
0x7e: {  	v33 =	vmul.f32 $3.141592740e+00, v12;
	v12 =	vsub.f32 v14, v34;
	v45 =	vcvt.s32.f32 v20  }
0x7f: {  	v37 =	vsel vm7, $0x3F800000, v2;
	v7 =	vmul.f32 v7, v7;
	v10 =	vmul.f32 v32, v63  }
0x80: {  	v9 =	vmul.f32 v9, v25;
	v36 =	vmul.f32 v33, v33;
	v12 =	vadd.f32 v12, v37  }
0x81: {  	v27 =	vor.u32 $0x10, v1;
	v17 =	vsub.f32 v17, v45;
	v6 =	vadd.f32 v6, v7  }
0x82: {  	v10 =	vadd.f32 $-1.666666720e-01, v10;
	v9 =	vadd.f32 $8.333333770e-03, v9;
	v38 =	vmul.f32 $2.505210790e-08, v36  }
0x83: {  	v12 =	vmul.f32 $3.141592740e+00, v12;
	vm8 =	vgt.f32 v17, $5.000000000e-01;
	vm9 =	vlt.f32 v17, $-5.000000000e-01  }
0x84: {  	v10 =	vmul.f32 v10, v63;
	v9 =	vmul.f32 v9, v25;
	v39 =	vsub.f32 $2.755731880e-06, v38  }
0x85: {  	v6 =	vmul.f32 v15, v6;
	v52 =	vsel vm8, $0x3F800000, v2;
	v41 =	vmul.f32 v12, v12  }
0x86: {  	v51 =	vld [tilespmem:$0xF0];
	v9 =	vadd.f32 $-1.666666720e-01, v9;
	v18 =	vmul.f32 v39, v36;
	v10 =	vadd.f32 $1.000000000e+00, v10  }
0x87: {  	v32 =	vld.idx.msk [tilespmem:v27+s25+$0x0], $0xffff;
	v19 =	vsub.f32 v17, v52;
	v17 =	vsel vm9, $0x3F800000, v2;
	v43 =	vmul.f32 $2.505210790e-08, v41  }
0x88: {  	v9 =	vmul.f32 v9, v25;
	v44 =	vadd.f32 $-1.984127010e-04, v18;
	v8 =	vmul.f32 v10, v8  }
0x89: {  	v46 =	vsub.f32 $2.755731880e-06, v43;
	v10 =	vcvt.f32.s32 v49;
	v18 =	vtrunc.f32 v53  }
0x8a: {  	v18 =	vcvt.f32.s32 v18;
	v9 =	vadd.f32 $1.000000000e+00, v9;
	v13 =	vmul.f32 v44, v36  }
0x8b: {  	v17 =	vadd.f32 v19, v17;
	v48 =	vmul.f32 v46, v41;
	v10 =	vcvt.s32.f32 v10  }
0x8c: {  	v4 =	vshrl.u32 v32, v0;
	v9 =	vmul.f32 v9, v16;
	v16 =	vmul.f32 $6.250000000e-02, v51  }
0x8d: {  	v17 =	vmul.f32 $3.141592740e+00, v17;
	v18 =	vcvt.s32.f32 v18;
	v10 =	vsub.f32 v47, v10  }
0x8e: {  	v13 =	vadd.f32 $8.333333770e-03, v13;
	v5 =	vadd.f32 $-1.984127010e-04, v48;
	v55 =	vtrunc.f32 v16  }
0x8f: {  	v15 =	vsub.f32 v53, v18;
	vm10 =	vgt.f32 v10, $5.000000000e-01;
	v56 =	vcvt.f32.s32 v55  }
0x90: {  	v13 =	vmul.f32 v13, v36;
	v5 =	vmul.f32 v5, v41;
	v54 =	vsel vm10, $0x3F800000, v2  }
0x91: {  	vm11 =	vlt.f32 v10, $-5.000000000e-01;
	v19 =	vsub.f32 v10, v54;
	v10 =	vcvt.s32.f32 v56  }
0x92: {  	v57 =	vmul.f32 v17, v17;
	v21 =	vsel vm11, $0x3F800000, v2;
	v13 =	vadd.f32 $-1.666666720e-01, v13  }
0x93: {  	vm12 =	vgt.f32 v15, $5.000000000e-01;
	v5 =	vadd.f32 $8.333333770e-03, v5;
	v10 =	vsub.f32 v16, v10  }
0x94: {  	vm14 =	vlt.f32 v15, $-5.000000000e-01;
	v62 =	vsel vm12, $0x3F800000, v2;
	v13 =	vmul.f32 v13, v36  }
0x95: {  	v58 =	vadd.f32 v19, v21;
	v5 =	vmul.f32 v5, v41;
	vm13 =	vgt.f32 v10, $5.000000000e-01  }
0x96: {  	v19 =	vsub.f32 v15, v62;
	v15 =	vsel vm14, $0x3F800000, v2;
	v63 =	vsel vm13, $0x3F800000, v2  }
0x97: {  	v14 =	vmul.f32 $3.141592740e+00, v58;
	vm15 =	vlt.f32 v10, $-5.000000000e-01;
	v21 =	vsub.f32 v10, v63  }
0x98: {  	v13 =	vadd.f32 $1.000000000e+00, v13;
	v24 =	vadd.f32 v19, v15;
	v2 =	vsel vm15, $0x3F800000, v2  }
0x99: {  	v59 =	vmul.f32 $2.505210790e-08, v57;
	v61 =	vmul.f32 v14, v14;
	v2 =	vadd.f32 v21, v2  }
0x9a: {  	v5 =	vadd.f32 $-1.666666720e-01, v5;
	v11 =	vmul.f32 v13, v33;
	v13 =	vmul.f32 $3.141592740e+00, v24  }
0x9b: {  	v60 =	vsub.f32 $2.755731880e-06, v59;
	v23 =	vmul.f32 $2.505210790e-08, v61;
	v2 =	vmul.f32 $3.141592740e+00, v2  }
0x9c: {  	v4 =	vand.u32 $0x1, v4;
	v5 =	vmul.f32 v5, v41;
	v29 =	vmul.f32 v13, v13  }
0x9d: {  	v22 =	vmul.f32 v60, v57;
	v26 =	vsub.f32 $2.755731880e-06, v23;
	v30 =	vmul.f32 v2, v2  }
0x9e: {  	v39 =	vor.u32 $0x18, v1;
	v5 =	vadd.f32 $1.000000000e+00, v5;
	v31 =	vmul.f32 $2.505210790e-08, v29  }
0x9f: {  	v25 =	vadd.f32 $-1.984127010e-04, v22;
	v10 =	vmul.f32 v26, v61;
	v22 =	vmul.f32 $2.505210790e-08, v30  }
0xa0: {  	v4 =	vcvt.s32.f32 v4;
	v5 =	vmul.f32 v5, v12;
	v12 =	vsub.f32 $2.755731880e-06, v31  }
0xa1: {  	v8 =	vmul.f32 v8, v8;
	v10 =	vadd.f32 $-1.984127010e-04, v10;
	v33 =	vsub.f32 $2.755731880e-06, v22  }
0xa2: {  	v3 =	vadd.f32 v6, v3;
	v7 =	vmul.f32 v25, v57;
	v34 =	vmul.f32 v12, v29  }
0xa3: {  	v1 =	vor.u32 $0x1C, v1;
	v10 =	vmul.f32 v10, v61;
	v35 =	vmul.f32 v33, v30  }
0xa4: {  	v47 =	vimm.s32 $0xFEDCBA98;
	v7 =	vadd.f32 $8.333333770e-03, v7;
	v6 =	vadd.f32 $-1.984127010e-04, v34  }
0xa5: {  	v42 =	vld.idx.msk [tilespmem:v39+s25+$0x0], $0xffff;
	v9 =	vmul.f32 v9, v9;
	v10 =	vadd.f32 $8.333333770e-03, v10;
	v37 =	vadd.f32 $-1.984127010e-04, v35  }
0xa6: {  	v48 =	vimm.s32 $0x76543210;
	v7 =	vmul.f32 v7, v57;
	v6 =	vmul.f32 v6, v29  }
0xa7: {  	v8 =	vadd.f32 v9, v8;
	v36 =	vmul.f32 v10, v61;
	v10 =	vmul.f32 v37, v30  }
0xa8: {  	v49 =	vunpack.c.l.s4.s8 v48;
	v16 =	vld.idx.msk [tilespmem:v28+s25+$0x0], $0xffff;
	v7 =	vadd.f32 $-1.666666720e-01, v7;
	v6 =	vadd.f32 $8.333333770e-03, v6  }
0xa9: {  	v1 =	vld.idx.msk [tilespmem:v1+s25+$0x0], $0xffff;
	v4 =	vmul.f32 v4, v8;
	v9 =	vadd.f32 $-1.666666720e-01, v36;
	v10 =	vadd.f32 $8.333333770e-03, v10  }
0xaa: {  	v46 =	vshrl.u32 v42, v0;
	v7 =	vmul.f32 v7, v57;
	v6 =	vmul.f32 v6, v29  }
0xab: {  	v3 =	vadd.f32 v4, v3;
	v9 =	vmul.f32 v9, v61;
	v10 =	vmul.f32 v10, v30  }
0xac: {  	v11 =	vmul.f32 v11, v11;
	v7 =	vadd.f32 $1.000000000e+00, v7;
	v6 =	vadd.f32 $-1.666666720e-01, v6  }
0xad: {  	v38 =	vshrl.u32 v16, v0;
	v41 =	vadd.f32 $1.000000000e+00, v9;
	v10 =	vadd.f32 $-1.666666720e-01, v10  }
0xae: {  	v0 =	vshrl.u32 v1, v0;
	v7 =	vmul.f32 v7, v17;
	v43 =	vmul.f32 v6, v29  }
0xaf: {  	v0 =	vand.u32 $0x1, v0;
	v8 =	vmul.f32 v41, v14;
	v44 =	vmul.f32 v10, v30  }
0xb0: {  	v5 =	vmul.f32 v5, v5;
	v12 =	vand.u32 $0x1, v38;
	v4 =	vadd.f32 $1.000000000e+00, v43  }
0xb1: {  	v7 =	vmul.f32 v7, v7;
	v8 =	vmul.f32 v8, v8;
	v6 =	vadd.f32 $1.000000000e+00, v44  }
0xb2: {  	v5 =	vadd.f32 v5, v11;
	v40 =	vcvt.s32.f32 v12;
	v4 =	vmul.f32 v4, v13  }
0xb3: {  	v45 =	vadd.f32 v8, v7;
	v8 =	vunpack.c.l.s4.s8 v47;
	v2 =	vmul.f32 v6, v2  }
0xb4: {  	v5 =	vmul.f32 v40, v5;
	v7 =	vand.u32 $0x1, v46;
	v4 =	vmul.f32 v4, v4  }
0xb5: {  	v7 =	vcvt.s32.f32 v7;
	v50 =	vunpack.c.0.s8.s32 v8;
	v2 =	vmul.f32 v2, v2  }
0xb6: {  	v1 =	vunpack.c.0.s8.s32 v49;
	v0 =	vcvt.s32.f32 v0;
	v3 =	vadd.f32 v5, v3  }
0xb7: {  	v5 =	vmul.f32 v7, v45;
	v51 =	vand.u32 $0xF, v50;
	v2 =	vadd.f32 v2, v4  }
0xb8: {  	v1 =	vcombine.low v51, v1  }
0xb9: {  	v3 =	vadd.f32 v5, v3;
	v0 =	vmul.f32 v0, v2  }
0xba: {  	v52 =	vimm.s32 $0x3210FEDC;
	v53 =	vimm.s32 $0xBA987654  }
0xbb: {  	v54 =	vunpack.c.l.s4.s8 v53;
	v2 =	vunpack.c.l.s4.s8 v52;
	v0 =	vadd.f32 v0, v3;
	_ =	sdelay $0x1  }
0xbc: {  	s30 =	simm.s32 $0x180;
	v2 =	vunpack.c.0.s8.s32 v2;
	v3 =	vunpack.c.0.s8.s32 v54;
	[tilespmem:$0x180] =	vst v0  }
0xbd: {  	v1 =	vld.idx.msk [tilespmem:v1+s30+$0x0], $0xffff  }
0xbe: {  	v2 =	vcombine.low v3, v2;
	_ =	sdelay $0x1  }
0xbf: {  	v2 =	vand.u32 $0xF, v2  }
0xc0: {  	v55 =	vimm.s32 $0x10FEDCBA;
	v56 =	vimm.s32 $0x98765432  }
0xc1: {  	v58 =	vunpack.c.l.s4.s8 v56;
	v57 =	vunpack.c.l.s4.s8 v55;
	v0 =	vadd.f32 v0, v1;
	_ =	sdelay $0x1  }
0xc2: {  	v3 =	vunpack.c.0.s8.s32 v58;
	v1 =	vunpack.c.0.s8.s32 v57;
	[tilespmem:$0x180] =	vst v0  }
0xc3: {  	v2 =	vld.idx.msk [tilespmem:v2+s30+$0x0], $0xffff  }
0xc4: {  	v1 =	vcombine.low v3, v1;
	_ =	sdelay $0x1  }
0xc5: {  	v1 =	vand.u32 $0xF, v1  }
0xc6: {  	v59 =	vimm.s32 $0xFEDCBA9;
	v60 =	vimm.s32 $0x87654321  }
0xc7: {  	v62 =	vunpack.c.l.s4.s8 v60;
	v61 =	vunpack.c.l.s4.s8 v59;
	v0 =	vadd.f32 v0, v2;
	_ =	sdelay $0x1  }
0xc8: {  	v3 =	vunpack.c.0.s8.s32 v62;
	v2 =	vunpack.c.0.s8.s32 v61;
	[tilespmem:$0x180] =	vst v0  }
0xc9: {  	v1 =	vld.idx.msk [tilespmem:v1+s30+$0x0], $0xffff  }
0xca: {  	v2 =	vcombine.low v3, v2;
	_ =	sdelay $0x1  }
0xcb: {  	v2 =	vand.u32 $0xF, v2;
	_ =	sdelay $0x1  }
0xcc: {  	v0 =	vadd.f32 v0, v1;
	_ =	sdelay $0x1  }
0xcd: {  	[tilespmem:$0x180] =	vst v0  }
0xce: {  	v63 =	vld.idx.msk [tilespmem:v2+s30+$0x0], $0xffff;
	_ =	sdelay $0x4  }
0xcf: {  	v0 =	vadd.f32 v0, v63;
	_ =	sdelay $0x1  }
0xd0: {  	s31 =	simm.s32 $0x4;
	[tilespmem:$0x180] =	vst v0  }
0xd1: {  	[hbm4b:s1+s2] =	stream.linear.scatter [tilespmem:s30], [sflag:$0x4], $0x80, $0x38;
	[tilespmem:$0x200] =	vst v63  }
0xd2: {  	_ =	swait.ge [sflag:s31], $0x80  }
0xd3: {  	[sflag:s31] =	ssyncset.done $0x0  }
0xd4: {  	[sflag:s31] =	ssyncadd.s32 $0xFFFFFF80  }
.LBB2_2:
0xd5: {  	_ =	sfence.sel $0x180000  }
0xd6: {  	[bflag:$0x0] =	sbarrier.arrive $0xFFFF  }
0xd7: {  	_ =	strace $0x90000047  }
0xd8: {  	s0 =	sadd.s32 @!p0 $0x100000, s0;
	[bflag:$0x2] =	sbarrier.arrive $0xFFFF  }
0xd9: {  	[sflag:s0] =	ssyncadd.tile.s32 @!p0 $0x1;
	_ =	shalt  }
.Lfunc_end2:
_tile_overlayer_lowered:
.L_overlay_start_2:
0xda: {  	(tag) =	ssettag $0x2  }
0xdb: {  	s0 =	rddreg [dreg:$0x0];
	s2 =	stileid.u32  }
0xdc: {  	s1 =	rddreg [dreg:$0x1];
	p0 =	sne.s32 s2, $0x0  }
0xdd: {  	s3 =	rddreg [dreg:$0x2];
	[bflag:$0x3] =	sbarrier.arrive $0xFFFF;
	s2 =	simm.s32 @!p0 $0x1C04  }
0xde: {  	[timem:s3], [sflag:s2] =	dma.local @!p0 [hbm:s0], s1  }
0xdf: {  	s0 =	simm.s32 @!p0 $0x4  }
0xe0: {  	_ =	swait.ge @!p0 [sflag:s0], s1  }
0xe1: {  	s1 =	ssub.s32 @!p0 $0x0, s1;
	[sflag:s0] =	ssyncset.done @!p0 $0x0  }
0xe2: {  	[sflag:s0] =	ssyncadd.s32 @!p0 s1  }
0xe3: {  	[bflag:$0x3] =	sbarrier.arrive $0xFFFF  }
0xe4: {  	_ =	shalt  }

</sc_bundles>
